<compile_context>
chip_gen: v7x
topology: tpu7x:2x2x1
jax: 0.10.2.dev20260603
libtpu: 0.0.44.dev20260713+nightly
codegen_flags: <defaults>
</compile_context>

<pallas_src>
import jax
import jax.numpy as jnp
from jax import lax
from jax.experimental import pallas as pl
from jax.experimental.pallas import tpu as pltpu
from jax.experimental.pallas import tpu_sc as plsc

_B, _N, _E, _D, _R = 32, 512, 8192, 256, 8
_NG, _NS = 10000, 2000
_L = 16


def _sc_body(x2_hbm, ei_hbm, et_hbm, s_hbm, deg0_hbm, x0_hbm,
             src_v, dst_v, et_v, histd_v, srcl_v, etl_v, s_v, rows_v, d0_v,
             x0_v, sem):
    c = lax.axis_index("c")
    sx = lax.axis_index("s")
    w = sx * 2 + c

    pltpu.sync_copy(ei_hbm.at[w, 0], src_v)
    pltpu.sync_copy(ei_hbm.at[w, 1], dst_v)
    pltpu.sync_copy(et_hbm.at[w], et_v)
    pltpu.sync_copy(x2_hbm.at[w * _N], x0_v)
    pltpu.sync_copy(x0_v, x0_hbm.at[w])

    zeros = jnp.zeros((_L,), jnp.float32)

    @plsc.parallel_loop(0, (_R * _N) // _L, 1, unroll=4)
    def _(i):
        histd_v[pl.ds(i * _L, _L)] = zeros

    @plsc.parallel_loop(0, (_R * _D) // _L, 1, unroll=4)
    def _(i):
        s_v[pl.ds(i * _L, _L)] = zeros

    ones = jnp.ones((_L,), jnp.float32)
    lanes = lax.iota(jnp.int32, _L)

    @plsc.parallel_loop(0, _E, _L, unroll=4,
                        carry=jnp.zeros((_L,), jnp.int32))
    def cntl(off, cl):
        dv = dst_v[pl.ds(off, _L)]
        tv = et_v[pl.ds(off, _L)]
        plsc.addupdate_scatter(histd_v, [tv * _N + dv], ones)
        return cl + (dv == 0).astype(jnp.int32)

    incl = plsc.cumsum(cntl)
    nlist = jnp.max(incl)

    @plsc.parallel_loop(0, _E, _L, unroll=4, carry=incl - cntl)
    def _(off, posl):
        sv = src_v[pl.ds(off, _L)]
        dv = dst_v[pl.ds(off, _L)]
        tv = et_v[pl.ds(off, _L)]
        m = dv == 0
        plsc.store_scatter(srcl_v, [posl], sv, mask=m)
        plsc.store_scatter(etl_v, [posl], tv, mask=m)
        return posl + m.astype(jnp.int32)

    def chunk_body(k, cr):
        off = k * _L
        sl = srcl_v[pl.ds(off, _L)]
        tl = etl_v[pl.ds(off, _L)]
        act = (off + lanes) < nlist
        sl = jnp.where(act, sl, 0)
        tl = jnp.where(act, tl, 0)
        d = plsc.load_gather(histd_v, [tl * _N + sl]) + 1.0
        di = plsc.bitcast(d, jnp.int32)
        y = plsc.bitcast(jnp.int32(0x5F3759DF) - (di >> 1), jnp.float32)
        half = 0.5 * d
        y = y * (1.5 - half * y * y)
        y = y * (1.5 - half * y * y)
        y = y * (1.5 - half * y * y)
        wgt = jnp.where(act, y, jnp.float32(0.0))
        gidx = jnp.where(act, w * _N + sl, 0)
        pltpu.async_copy(x2_hbm.at[gidx], rows_v, sem).wait()

        @plsc.parallel_loop(0, _D, 1, unroll=4)
        def _(cc):
            colv = plsc.load_gather(rows_v, [lanes, jnp.broadcast_to(cc, (_L,))])
            plsc.addupdate_scatter(s_v, [tl * _D + cc], wgt * colv, mask=act)

        return cr

    lax.fori_loop(0, (nlist + _L - 1) // _L, chunk_body, 0)

    d0_v[...] = plsc.load_gather(histd_v, [jnp.minimum(lanes * _N, _R * _N - 1)])
    pltpu.sync_copy(d0_v, deg0_hbm.at[w])
    pltpu.sync_copy(s_v, s_hbm.at[w])


def _sc_gather_sums(x, edge_index, edge_type):
    x2 = x.reshape(_B * _N, _D)
    mesh = plsc.VectorSubcoreMesh(core_axis_name="c", subcore_axis_name="s")
    fn = pl.kernel(
        _sc_body,
        out_type=[
            jax.ShapeDtypeStruct((_B, _R * _D), jnp.float32),
            jax.ShapeDtypeStruct((_B, _L), jnp.float32),
            jax.ShapeDtypeStruct((_B, _D), jnp.float32),
        ],
        mesh=mesh,
        compiler_params=pltpu.CompilerParams(needs_layout_passes=False),
        scratch_types=[
            pltpu.VMEM((_E,), jnp.int32),
            pltpu.VMEM((_E,), jnp.int32),
            pltpu.VMEM((_E,), jnp.int32),
            pltpu.VMEM((_R * _N,), jnp.float32),
            pltpu.VMEM((_E,), jnp.int32),
            pltpu.VMEM((_E,), jnp.int32),
            pltpu.VMEM((_R * _D,), jnp.float32),
            pltpu.VMEM((_L, _D), jnp.float32),
            pltpu.VMEM((_L,), jnp.float32),
            pltpu.VMEM((_D,), jnp.float32),
            pltpu.SemaphoreType.DMA,
        ],
    )
    return fn(x2, edge_index, edge_type)


def _tc_body(s_ref, d0_ref, x0_ref, wrel_ref, w0_ref,
             wg_ref, bg_ref, ws_ref, bs_ref, lg_ref, ls_ref):
    dinv0 = lax.rsqrt(d0_ref[...] + 1.0)
    x0 = x0_ref[...]
    acc = jnp.dot(x0, w0_ref[...], preferred_element_type=jnp.float32)
    for r in range(_R):
        dr = dinv0[:, r:r + 1]
        p = s_ref[:, r, :] * dr + x0 * (dr * dr)
        acc = acc + jnp.dot(p, wrel_ref[r], preferred_element_type=jnp.float32)
    x1 = jnp.where(acc >= 0, acc, 0.1 * acc)

    def head(w_ref, b_ref):
        z = jnp.dot(x1, w_ref[...], preferred_element_type=jnp.float32) + b_ref[...]
        m = jnp.max(z, axis=1, keepdims=True)
        e = jnp.exp(z - m)
        return z - m - jnp.log(jnp.sum(e, axis=1, keepdims=True))

    lg_ref[...] = head(wg_ref, bg_ref)
    ls_ref[...] = head(ws_ref, bs_ref)


def _tc_call(s, deg0, x0, W_rel, W_0, W_g, b_g, W_s, b_s):
    out_shape = [
        jax.ShapeDtypeStruct((_B, _NG), jnp.float32),
        jax.ShapeDtypeStruct((_B, _NS), jnp.float32),
    ]
    return pl.pallas_call(_tc_body, out_shape=out_shape)(
        s, deg0, x0, W_rel, W_0, W_g,
        b_g.reshape(1, _NG), W_s, b_s.reshape(1, _NS))


def kernel(x, edge_index, edge_type, W_rel, W_0, W_g, b_g, W_s, b_s):
    s_flat, deg0, x0 = _sc_gather_sums(x, edge_index, edge_type)
    s = s_flat.reshape(_B, _R, _D)
    lg, ls = _tc_call(s, deg0, x0, W_rel, W_0, W_g, b_g, W_s, b_s)
    return lg, ls

# --- scband reference (transcript-rebuilt; emitter-appended) ---
"""Pipeline reference for scband-composite-rgcn-83958020702635 (READ-ONLY COPY).

The authoritative reference and input builder live on the scoring server;
editing this copy changes nothing except your own understanding.
"""

import jax, jax.numpy as jnp
import numpy as np

B, N, E, D, R = 32, 512, 8192, 256, 8
N_SENSES = 2000
N_GLOBALS = 10000  # last_idx_globals - last_idx_senses = 12000 - 2000


def _glorot(key, shape):
    fan_in, fan_out = shape[-2], shape[-1]
    std = float(np.sqrt(2.0 / (fan_in + fan_out)))
    return std * jax.random.normal(key, shape, dtype=jnp.float32)


def setup_inputs(seed: int = 0) -> dict:
    key = jax.random.key(seed)
    ks = jax.random.split(key, 10)
    x = jax.random.normal(ks[0], (B, N, D), dtype=jnp.float32)
    edge_index = jax.random.randint(ks[1], (B, 2, E), 0, N, dtype=jnp.int32)
    edge_type = jnp.sort(jax.random.randint(ks[2], (B, E), 0, R, dtype=jnp.int32), axis=1)
    # learned params: one GCNConv weight per relation (bias=False), W_0, two output linears
    W_rel = _glorot(ks[3], (R, D, D))
    W_0 = _glorot(ks[4], (D, D))
    W_g = _glorot(ks[5], (D, N_GLOBALS))
    b_g = jnp.zeros((N_GLOBALS,), dtype=jnp.float32)
    W_s = _glorot(ks[6], (D, N_SENSES))
    b_s = jnp.zeros((N_SENSES,), dtype=jnp.float32)
    return {"x": x, "edge_index": edge_index, "edge_type": edge_type,
            "W_rel": W_rel, "W_0": W_0, "W_g": W_g, "b_g": b_g, "W_s": W_s, "b_s": b_s}


def _gcn_conv(xw, src, dst, w_e):
    # PyG GCNConv with add_self_loops=True, bias=False; masked edges have w_e=0
    deg = jnp.zeros((N,), dtype=jnp.float32).at[dst].add(w_e) + 1.0  # +1 self loop
    dinv = jax.lax.rsqrt(deg)
    norm = dinv[src] * dinv[dst] * w_e
    agg = jnp.zeros((N, xw.shape[1]), dtype=jnp.float32).at[dst].add(xw[src] * norm[:, None])
    agg = agg + xw * (dinv * dinv)[:, None]  # self-loop messages
    return agg


def reference(x, edge_index, edge_type, W_rel, W_0, W_g, b_g, W_s, b_s):
    def one_sample(x_i, ei, et):
        src, dst = ei[0], ei[1]
        total = jnp.zeros((N, D), dtype=jnp.float32)
        for r in range(R):  # split_edge_index by relation -> per-relation GCNConv
            w_e = (et == r).astype(jnp.float32)
            xw = x_i @ W_rel[r]
            total = total + _gcn_conv(xw, src, dst, w_e)
        prev = jnp.eye(N, dtype=jnp.float32) @ (x_i @ W_0)  # A0_selfadj @ (x W_0)
        h = jax.nn.leaky_relu(total + prev, negative_slope=0.1)
        x1 = h[0]
        lg = jax.nn.log_softmax(x1 @ W_g + b_g, axis=0)
        ls = jax.nn.log_softmax(x1 @ W_s + b_s, axis=0)
        return lg, ls

    preds_g, preds_s = jax.vmap(one_sample)(x, edge_index, edge_type)
    return preds_g, preds_s

if __name__ == "__main__":
    import jax
    _d = setup_inputs()
    print(jax.jit(kernel)(*tuple(_d.values())))

</pallas_src>

<mosaic_0001>
#map = affine_map<(d0, d1) -> (0, 0)>
#map1 = affine_map<(d0, d1) -> (0, 0, 0)>
module attributes {stable_mosaic.version = 14 : i64} {
  func.func @_sc_body(%arg0: i32, %arg1: i32, %arg2: memref<16384x256xf32, #tpu.memory_space<hbm>>, %arg3: memref<32x2x8192xi32, #tpu.memory_space<hbm>>, %arg4: memref<32x8192xi32, #tpu.memory_space<hbm>>, %arg5: memref<32x2048xf32, #tpu.memory_space<hbm>>, %arg6: memref<32x16xf32, #tpu.memory_space<hbm>>, %arg7: memref<32x256xf32, #tpu.memory_space<hbm>>, %arg8: memref<8192xi32, #tpu.memory_space<vmem>>, %arg9: memref<8192xi32, #tpu.memory_space<vmem>>, %arg10: memref<8192xi32, #tpu.memory_space<vmem>>, %arg11: memref<4096xf32, #tpu.memory_space<vmem>>, %arg12: memref<8192xi32, #tpu.memory_space<vmem>>, %arg13: memref<8192xi32, #tpu.memory_space<vmem>>, %arg14: memref<2048xf32, #tpu.memory_space<vmem>>, %arg15: memref<16x256xf32, #tpu.memory_space<vmem>>, %arg16: memref<16xf32, #tpu.memory_space<vmem>>, %arg17: memref<256xf32, #tpu.memory_space<vmem>>, %arg18: memref<!tpu.dma_semaphore, #tpu.memory_space<semaphore_mem>>) attributes {dimension_semantics = [#tpu.dimension_semantics<core_parallel>, #tpu.dimension_semantics<subcore_parallel>], iteration_bounds = array<i64: 2, 16>, scalar_prefetch = 0 : i64, scratch_operands = 11 : i64, tpu.core_type = #tpu.core_type<sc_vector_subcore>, window_params = [{transform_indices = #map}, {transform_indices = #map1}, {transform_indices = #map}, {transform_indices = #map}, {transform_indices = #map}, {transform_indices = #map}]} {
    %mul3A = arith.constant 2 : i32
    %mul3A_0 = arith.muli %arg1, %mul3A : i32
    %add3A = arith.addi %mul3A_0, %arg0 : i32
    %run_scoped3A = arith.constant 0 : i32
    "tpu.region"() ({
      %run_scoped3A_67 = tpu.sem_alloc : memref<!tpu.dma_semaphore, #tpu.memory_space<semaphore_mem>>
      %dma_start3A = arith.constant 0 : i32
      %dma_start3A_68 = tpu.memref_slice %arg3[%add3A, %run_scoped3A, %dma_start3A] : memref<32x2x8192xi32, #tpu.memory_space<hbm>> -> memref<1x1x8192xi32, #tpu.memory_space<hbm>>
      %dma_start3A_69 = tpu.memref_squeeze %dma_start3A_68 : memref<1x1x8192xi32, #tpu.memory_space<hbm>> -> memref<8192xi32, #tpu.memory_space<hbm>>
      %dma_start3A_70 = arith.constant 0 : i32
      %dma_start3A_71 = tpu.memref_slice %arg3[%add3A, %run_scoped3A, %dma_start3A_70] : memref<32x2x8192xi32, #tpu.memory_space<hbm>> -> memref<1x1x8192xi32, #tpu.memory_space<hbm>>
      %dma_start3A_72 = tpu.memref_squeeze %dma_start3A_71 : memref<1x1x8192xi32, #tpu.memory_space<hbm>> -> memref<8192xi32, #tpu.memory_space<hbm>>
      tpu.enqueue_dma source(%dma_start3A_72 : memref<8192xi32, #tpu.memory_space<hbm>>) target(%arg8 : memref<8192xi32, #tpu.memory_space<vmem>>) target_semaphore(%run_scoped3A_67 : memref<!tpu.dma_semaphore, #tpu.memory_space<semaphore_mem>>)
      %dma_wait3A = arith.constant 0 : i32
      %dma_wait3A_73 = tpu.memref_slice %arg3[%add3A, %run_scoped3A, %dma_wait3A] : memref<32x2x8192xi32, #tpu.memory_space<hbm>> -> memref<1x1x8192xi32, #tpu.memory_space<hbm>>
      %dma_wait3A_74 = tpu.memref_squeeze %dma_wait3A_73 : memref<1x1x8192xi32, #tpu.memory_space<hbm>> -> memref<8192xi32, #tpu.memory_space<hbm>>
      %dma_wait3A_75 = arith.constant 0 : i32
      %dma_wait3A_76 = tpu.memref_slice %arg3[%add3A, %run_scoped3A, %dma_wait3A_75] : memref<32x2x8192xi32, #tpu.memory_space<hbm>> -> memref<1x1x8192xi32, #tpu.memory_space<hbm>>
      %dma_wait3A_77 = tpu.memref_squeeze %dma_wait3A_76 : memref<1x1x8192xi32, #tpu.memory_space<hbm>> -> memref<8192xi32, #tpu.memory_space<hbm>>
      tpu.wait_dma2 semaphore(%run_scoped3A_67 : memref<!tpu.dma_semaphore, #tpu.memory_space<semaphore_mem>>) src(%dma_wait3A_77 : memref<8192xi32, #tpu.memory_space<hbm>>) dst(%arg8 : memref<8192xi32, #tpu.memory_space<vmem>>)
      tpu.yield
    }) : () -> ()
    %run_scoped3A_1 = arith.constant 1 : i32
    "tpu.region"() ({
      %run_scoped3A_67 = tpu.sem_alloc : memref<!tpu.dma_semaphore, #tpu.memory_space<semaphore_mem>>
      %dma_start3A = arith.constant 0 : i32
      %dma_start3A_68 = tpu.memref_slice %arg3[%add3A, %run_scoped3A_1, %dma_start3A] : memref<32x2x8192xi32, #tpu.memory_space<hbm>> -> memref<1x1x8192xi32, #tpu.memory_space<hbm>>
      %dma_start3A_69 = tpu.memref_squeeze %dma_start3A_68 : memref<1x1x8192xi32, #tpu.memory_space<hbm>> -> memref<8192xi32, #tpu.memory_space<hbm>>
      %dma_start3A_70 = arith.constant 0 : i32
      %dma_start3A_71 = tpu.memref_slice %arg3[%add3A, %run_scoped3A_1, %dma_start3A_70] : memref<32x2x8192xi32, #tpu.memory_space<hbm>> -> memref<1x1x8192xi32, #tpu.memory_space<hbm>>
      %dma_start3A_72 = tpu.memref_squeeze %dma_start3A_71 : memref<1x1x8192xi32, #tpu.memory_space<hbm>> -> memref<8192xi32, #tpu.memory_space<hbm>>
      tpu.enqueue_dma source(%dma_start3A_72 : memref<8192xi32, #tpu.memory_space<hbm>>) target(%arg9 : memref<8192xi32, #tpu.memory_space<vmem>>) target_semaphore(%run_scoped3A_67 : memref<!tpu.dma_semaphore, #tpu.memory_space<semaphore_mem>>)
      %dma_wait3A = arith.constant 0 : i32
      %dma_wait3A_73 = tpu.memref_slice %arg3[%add3A, %run_scoped3A_1, %dma_wait3A] : memref<32x2x8192xi32, #tpu.memory_space<hbm>> -> memref<1x1x8192xi32, #tpu.memory_space<hbm>>
      %dma_wait3A_74 = tpu.memref_squeeze %dma_wait3A_73 : memref<1x1x8192xi32, #tpu.memory_space<hbm>> -> memref<8192xi32, #tpu.memory_space<hbm>>
      %dma_wait3A_75 = arith.constant 0 : i32
      %dma_wait3A_76 = tpu.memref_slice %arg3[%add3A, %run_scoped3A_1, %dma_wait3A_75] : memref<32x2x8192xi32, #tpu.memory_space<hbm>> -> memref<1x1x8192xi32, #tpu.memory_space<hbm>>
      %dma_wait3A_77 = tpu.memref_squeeze %dma_wait3A_76 : memref<1x1x8192xi32, #tpu.memory_space<hbm>> -> memref<8192xi32, #tpu.memory_space<hbm>>
      tpu.wait_dma2 semaphore(%run_scoped3A_67 : memref<!tpu.dma_semaphore, #tpu.memory_space<semaphore_mem>>) src(%dma_wait3A_77 : memref<8192xi32, #tpu.memory_space<hbm>>) dst(%arg9 : memref<8192xi32, #tpu.memory_space<vmem>>)
      tpu.yield
    }) : () -> ()
    "tpu.region"() ({
      %run_scoped3A_67 = tpu.sem_alloc : memref<!tpu.dma_semaphore, #tpu.memory_space<semaphore_mem>>
      %dma_start3A = arith.constant 0 : i32
      %dma_start3A_68 = tpu.memref_slice %arg4[%add3A, %dma_start3A] : memref<32x8192xi32, #tpu.memory_space<hbm>> -> memref<1x8192xi32, #tpu.memory_space<hbm>>
      %dma_start3A_69 = tpu.memref_squeeze %dma_start3A_68 : memref<1x8192xi32, #tpu.memory_space<hbm>> -> memref<8192xi32, #tpu.memory_space<hbm>>
      %dma_start3A_70 = arith.constant 0 : i32
      %dma_start3A_71 = tpu.memref_slice %arg4[%add3A, %dma_start3A_70] : memref<32x8192xi32, #tpu.memory_space<hbm>> -> memref<1x8192xi32, #tpu.memory_space<hbm>>
      %dma_start3A_72 = tpu.memref_squeeze %dma_start3A_71 : memref<1x8192xi32, #tpu.memory_space<hbm>> -> memref<8192xi32, #tpu.memory_space<hbm>>
      tpu.enqueue_dma source(%dma_start3A_72 : memref<8192xi32, #tpu.memory_space<hbm>>) target(%arg10 : memref<8192xi32, #tpu.memory_space<vmem>>) target_semaphore(%run_scoped3A_67 : memref<!tpu.dma_semaphore, #tpu.memory_space<semaphore_mem>>)
      %dma_wait3A = arith.constant 0 : i32
      %dma_wait3A_73 = tpu.memref_slice %arg4[%add3A, %dma_wait3A] : memref<32x8192xi32, #tpu.memory_space<hbm>> -> memref<1x8192xi32, #tpu.memory_space<hbm>>
      %dma_wait3A_74 = tpu.memref_squeeze %dma_wait3A_73 : memref<1x8192xi32, #tpu.memory_space<hbm>> -> memref<8192xi32, #tpu.memory_space<hbm>>
      %dma_wait3A_75 = arith.constant 0 : i32
      %dma_wait3A_76 = tpu.memref_slice %arg4[%add3A, %dma_wait3A_75] : memref<32x8192xi32, #tpu.memory_space<hbm>> -> memref<1x8192xi32, #tpu.memory_space<hbm>>
      %dma_wait3A_77 = tpu.memref_squeeze %dma_wait3A_76 : memref<1x8192xi32, #tpu.memory_space<hbm>> -> memref<8192xi32, #tpu.memory_space<hbm>>
      tpu.wait_dma2 semaphore(%run_scoped3A_67 : memref<!tpu.dma_semaphore, #tpu.memory_space<semaphore_mem>>) src(%dma_wait3A_77 : memref<8192xi32, #tpu.memory_space<hbm>>) dst(%arg10 : memref<8192xi32, #tpu.memory_space<vmem>>)
      tpu.yield
    }) : () -> ()
    %mul3A_2 = arith.constant 512 : i32
    %mul3A_3 = arith.muli %add3A, %mul3A_2 : i32
    "tpu.region"() ({
      %run_scoped3A_67 = tpu.sem_alloc : memref<!tpu.dma_semaphore, #tpu.memory_space<semaphore_mem>>
      %dma_start3A = arith.constant 0 : i32
      %dma_start3A_68 = tpu.memref_slice %arg2[%mul3A_3, %dma_start3A] : memref<16384x256xf32, #tpu.memory_space<hbm>> -> memref<1x256xf32, #tpu.memory_space<hbm>>
      %dma_start3A_69 = tpu.memref_squeeze %dma_start3A_68 : memref<1x256xf32, #tpu.memory_space<hbm>> -> memref<256xf32, #tpu.memory_space<hbm>>
      %dma_start3A_70 = arith.constant 0 : i32
      %dma_start3A_71 = tpu.memref_slice %arg2[%mul3A_3, %dma_start3A_70] : memref<16384x256xf32, #tpu.memory_space<hbm>> -> memref<1x256xf32, #tpu.memory_space<hbm>>
      %dma_start3A_72 = tpu.memref_squeeze %dma_start3A_71 : memref<1x256xf32, #tpu.memory_space<hbm>> -> memref<256xf32, #tpu.memory_space<hbm>>
      tpu.enqueue_dma source(%dma_start3A_72 : memref<256xf32, #tpu.memory_space<hbm>>) target(%arg17 : memref<256xf32, #tpu.memory_space<vmem>>) target_semaphore(%run_scoped3A_67 : memref<!tpu.dma_semaphore, #tpu.memory_space<semaphore_mem>>)
      %dma_wait3A = arith.constant 0 : i32
      %dma_wait3A_73 = tpu.memref_slice %arg2[%mul3A_3, %dma_wait3A] : memref<16384x256xf32, #tpu.memory_space<hbm>> -> memref<1x256xf32, #tpu.memory_space<hbm>>
      %dma_wait3A_74 = tpu.memref_squeeze %dma_wait3A_73 : memref<1x256xf32, #tpu.memory_space<hbm>> -> memref<256xf32, #tpu.memory_space<hbm>>
      %dma_wait3A_75 = arith.constant 0 : i32
      %dma_wait3A_76 = tpu.memref_slice %arg2[%mul3A_3, %dma_wait3A_75] : memref<16384x256xf32, #tpu.memory_space<hbm>> -> memref<1x256xf32, #tpu.memory_space<hbm>>
      %dma_wait3A_77 = tpu.memref_squeeze %dma_wait3A_76 : memref<1x256xf32, #tpu.memory_space<hbm>> -> memref<256xf32, #tpu.memory_space<hbm>>
      tpu.wait_dma2 semaphore(%run_scoped3A_67 : memref<!tpu.dma_semaphore, #tpu.memory_space<semaphore_mem>>) src(%dma_wait3A_77 : memref<256xf32, #tpu.memory_space<hbm>>) dst(%arg17 : memref<256xf32, #tpu.memory_space<vmem>>)
      tpu.yield
    }) : () -> ()
    "tpu.region"() ({
      %run_scoped3A_67 = tpu.sem_alloc : memref<!tpu.dma_semaphore, #tpu.memory_space<semaphore_mem>>
      %dma_start3A = arith.constant 0 : i32
      %dma_start3A_68 = tpu.memref_slice %arg7[%add3A, %dma_start3A] : memref<32x256xf32, #tpu.memory_space<hbm>> -> memref<1x256xf32, #tpu.memory_space<hbm>>
      %dma_start3A_69 = tpu.memref_squeeze %dma_start3A_68 : memref<1x256xf32, #tpu.memory_space<hbm>> -> memref<256xf32, #tpu.memory_space<hbm>>
      %dma_start3A_70 = arith.constant 0 : i32
      %dma_start3A_71 = tpu.memref_slice %arg7[%add3A, %dma_start3A_70] : memref<32x256xf32, #tpu.memory_space<hbm>> -> memref<1x256xf32, #tpu.memory_space<hbm>>
      %dma_start3A_72 = tpu.memref_squeeze %dma_start3A_71 : memref<1x256xf32, #tpu.memory_space<hbm>> -> memref<256xf32, #tpu.memory_space<hbm>>
      tpu.enqueue_dma source(%arg17 : memref<256xf32, #tpu.memory_space<vmem>>) target(%dma_start3A_72 : memref<256xf32, #tpu.memory_space<hbm>>) target_semaphore(%run_scoped3A_67 : memref<!tpu.dma_semaphore, #tpu.memory_space<semaphore_mem>>)
      %dma_wait3A = arith.constant 0 : i32
      %dma_wait3A_73 = tpu.memref_slice %arg7[%add3A, %dma_wait3A] : memref<32x256xf32, #tpu.memory_space<hbm>> -> memref<1x256xf32, #tpu.memory_space<hbm>>
      %dma_wait3A_74 = tpu.memref_squeeze %dma_wait3A_73 : memref<1x256xf32, #tpu.memory_space<hbm>> -> memref<256xf32, #tpu.memory_space<hbm>>
      %dma_wait3A_75 = arith.constant 0 : i32
      %dma_wait3A_76 = tpu.memref_slice %arg7[%add3A, %dma_wait3A_75] : memref<32x256xf32, #tpu.memory_space<hbm>> -> memref<1x256xf32, #tpu.memory_space<hbm>>
      %dma_wait3A_77 = tpu.memref_squeeze %dma_wait3A_76 : memref<1x256xf32, #tpu.memory_space<hbm>> -> memref<256xf32, #tpu.memory_space<hbm>>
      tpu.wait_dma2 semaphore(%run_scoped3A_67 : memref<!tpu.dma_semaphore, #tpu.memory_space<semaphore_mem>>) src(%arg17 : memref<256xf32, #tpu.memory_space<vmem>>) dst(%dma_wait3A_77 : memref<256xf32, #tpu.memory_space<hbm>>)
      tpu.yield
    }) : () -> ()
    %broadcast_in_dim3A = arith.constant 0.000000e+00 : f32
    %broadcast_in_dim3A_4 = vector.broadcast %broadcast_in_dim3A : f32 to vector<16xf32>
    %parallel_loop3A = arith.constant 0 : i32
    %parallel_loop3A_5 = arith.constant 256 : i32
    %parallel_loop3A_6 = arith.constant 1 : i32
    scf.for %parallel_loop3A_67 = %parallel_loop3A to %parallel_loop3A_5 step %parallel_loop3A_6  : i32 {
      %parallel_loop3A_68 = arith.constant 16 : i32
      %parallel_loop3A_69 = arith.muli %parallel_loop3A_67, %parallel_loop3A_68 : i32
      %parallel_loop3A_70 = arith.index_cast %parallel_loop3A_69 : i32 to index
      %parallel_loop3A_71 = tpu.vector_load %arg11[%parallel_loop3A_70] {strides = array<i32>} : memref<4096xf32, #tpu.memory_space<vmem>>, vector<16xf32>,
      tpu.vector_store %arg11[%parallel_loop3A_70], %broadcast_in_dim3A_4 {strides = array<i32>} : memref<4096xf32, #tpu.memory_space<vmem>>, vector<16xf32>,
    } {sc.loop_unroll_factor = 4 : i64, sc.parallel_access}
    %parallel_loop3A_7 = arith.constant 0 : i32
    %parallel_loop3A_8 = arith.constant 128 : i32
    %parallel_loop3A_9 = arith.constant 1 : i32
    scf.for %parallel_loop3A_67 = %parallel_loop3A_7 to %parallel_loop3A_8 step %parallel_loop3A_9  : i32 {
      %parallel_loop3A_68 = arith.constant 16 : i32
      %parallel_loop3A_69 = arith.muli %parallel_loop3A_67, %parallel_loop3A_68 : i32
      %parallel_loop3A_70 = arith.index_cast %parallel_loop3A_69 : i32 to index
      %parallel_loop3A_71 = tpu.vector_load %arg14[%parallel_loop3A_70] {strides = array<i32>} : memref<2048xf32, #tpu.memory_space<vmem>>, vector<16xf32>,
      tpu.vector_store %arg14[%parallel_loop3A_70], %broadcast_in_dim3A_4 {strides = array<i32>} : memref<2048xf32, #tpu.memory_space<vmem>>, vector<16xf32>,
    } {sc.loop_unroll_factor = 4 : i64, sc.parallel_access}
    %broadcast_in_dim3A_10 = arith.constant 1.000000e+00 : f32
    %broadcast_in_dim3A_11 = vector.broadcast %broadcast_in_dim3A_10 : f32 to vector<16xf32>
    %iota3A = tpu.iota {dimensions = array<i32: 0>} : vector<16xi32>
    %broadcast_in_dim3A_12 = arith.constant 0 : i32
    %broadcast_in_dim3A_13 = vector.broadcast %broadcast_in_dim3A_12 : i32 to vector<16xi32>
    %parallel_loop3A_14 = arith.constant 0 : i32
    %parallel_loop3A_15 = arith.constant 8192 : i32
    %parallel_loop3A_16 = arith.constant 16 : i32
    %parallel_loop3A_17 = scf.for %parallel_loop3A_67 = %parallel_loop3A_14 to %parallel_loop3A_15 step %parallel_loop3A_16 iter_args(%parallel_loop3A_68 = %broadcast_in_dim3A_13) -> (vector<16xi32>)  : i32 {
      %parallel_loop3A_69 = arith.index_cast %parallel_loop3A_67 : i32 to index
      %parallel_loop3A_70 = tpu.vector_load %arg9[%parallel_loop3A_69] {strides = array<i32>} : memref<8192xi32, #tpu.memory_space<vmem>>, vector<16xi32>,
      %parallel_loop3A_71 = arith.index_cast %parallel_loop3A_67 : i32 to index
      %parallel_loop3A_72 = tpu.vector_load %arg10[%parallel_loop3A_71] {strides = array<i32>} : memref<8192xi32, #tpu.memory_space<vmem>>, vector<16xi32>,
      %parallel_loop3A_73 = arith.constant 512 : i32
      %parallel_loop3A_74 = vector.broadcast %parallel_loop3A_73 : i32 to vector<16xi32>
      %parallel_loop3A_75 = arith.muli %parallel_loop3A_72, %parallel_loop3A_74 : vector<16xi32>
      %parallel_loop3A_76 = arith.addi %parallel_loop3A_75, %parallel_loop3A_70 : vector<16xi32>
      tpu.vector_store_idx %arg11[%parallel_loop3A_76], %broadcast_in_dim3A_11 {add = true} : memref<4096xf32, #tpu.memory_space<vmem>>[vector<16xi32>], vector<16xf32>,
      %parallel_loop3A_77 = arith.constant 0 : i32
      %parallel_loop3A_78 = vector.broadcast %parallel_loop3A_77 : i32 to vector<16xi32>
      %parallel_loop3A_79 = arith.cmpi eq, %parallel_loop3A_70, %parallel_loop3A_78 : vector<16xi32>
      %parallel_loop3A_80 = arith.extui %parallel_loop3A_79 : vector<16xi1> to vector<16xi32>
      %parallel_loop3A_81 = arith.addi %parallel_loop3A_68, %parallel_loop3A_80 : vector<16xi32>
      scf.yield %parallel_loop3A_81 : vector<16xi32>
    } {sc.loop_unroll_factor = 4 : i64, sc.parallel_access}
    %broadcast_in_dim3A_18 = arith.constant true
    %broadcast_in_dim3A_19 = vector.broadcast %broadcast_in_dim3A_18 : i1 to vector<16xi1>
    %masked_cumsum3A = tpu.scan <sum>, %parallel_loop3A_17 masked %broadcast_in_dim3A_19 : vector<16xi32>, vector<16xi1> -> vector<16xi32>
    %reduce_max3A = arith.constant true
    %reduce_max3A_20 = vector.broadcast %reduce_max3A : i1 to vector<16xi1>
    %reduce_max3A_21 = arith.constant -2147483648 : i32
    %reduce_max3A_22 = vector.broadcast %reduce_max3A_21 : i32 to vector<16xi32>
    %reduce_max3A_23 = arith.xori %masked_cumsum3A, %reduce_max3A_22 : vector<16xi32>
    %reduce_max3A_24 = tpu.scan <max>, %reduce_max3A_23 masked %reduce_max3A_20 : vector<16xi32>, vector<16xi1> -> vector<16xi32>
    %reduce_max3A_25 = arith.xori %reduce_max3A_24, %reduce_max3A_22 : vector<16xi32>
    %reduce_max3A_26 = vector.extract %reduce_max3A_25[15] : i32 from vector<16xi32>
    %sub3A = arith.subi %masked_cumsum3A, %parallel_loop3A_17 : vector<16xi32>
    %parallel_loop3A_27 = arith.constant 0 : i32
    %parallel_loop3A_28 = arith.constant 8192 : i32
    %parallel_loop3A_29 = arith.constant 16 : i32
    %parallel_loop3A_30 = scf.for %parallel_loop3A_67 = %parallel_loop3A_27 to %parallel_loop3A_28 step %parallel_loop3A_29 iter_args(%parallel_loop3A_68 = %sub3A) -> (vector<16xi32>)  : i32 {
      %parallel_loop3A_69 = arith.index_cast %parallel_loop3A_67 : i32 to index
      %parallel_loop3A_70 = tpu.vector_load %arg8[%parallel_loop3A_69] {strides = array<i32>} : memref<8192xi32, #tpu.memory_space<vmem>>, vector<16xi32>,
      %parallel_loop3A_71 = arith.index_cast %parallel_loop3A_67 : i32 to index
      %parallel_loop3A_72 = tpu.vector_load %arg9[%parallel_loop3A_71] {strides = array<i32>} : memref<8192xi32, #tpu.memory_space<vmem>>, vector<16xi32>,
      %parallel_loop3A_73 = arith.index_cast %parallel_loop3A_67 : i32 to index
      %parallel_loop3A_74 = tpu.vector_load %arg10[%parallel_loop3A_73] {strides = array<i32>} : memref<8192xi32, #tpu.memory_space<vmem>>, vector<16xi32>,
      %parallel_loop3A_75 = arith.constant 0 : i32
      %parallel_loop3A_76 = vector.broadcast %parallel_loop3A_75 : i32 to vector<16xi32>
      %parallel_loop3A_77 = arith.cmpi eq, %parallel_loop3A_72, %parallel_loop3A_76 : vector<16xi32>
      tpu.vector_store_idx %arg12[%parallel_loop3A_68], %parallel_loop3A_70 masked %parallel_loop3A_77 : memref<8192xi32, #tpu.memory_space<vmem>>[vector<16xi32>], vector<16xi32>, vector<16xi1>
      tpu.vector_store_idx %arg13[%parallel_loop3A_68], %parallel_loop3A_74 masked %parallel_loop3A_77 : memref<8192xi32, #tpu.memory_space<vmem>>[vector<16xi32>], vector<16xi32>, vector<16xi1>
      %parallel_loop3A_78 = arith.extui %parallel_loop3A_77 : vector<16xi1> to vector<16xi32>
      %parallel_loop3A_79 = arith.addi %parallel_loop3A_68, %parallel_loop3A_78 : vector<16xi32>
      scf.yield %parallel_loop3A_79 : vector<16xi32>
    } {sc.loop_unroll_factor = 4 : i64, sc.parallel_access}
    %add3A_31 = arith.constant 16 : i32
    %add3A_32 = arith.addi %reduce_max3A_26, %add3A_31 : i32
    %sub3A_33 = arith.constant 1 : i32
    %sub3A_34 = arith.subi %add3A_32, %sub3A_33 : i32
    %jit3A = arith.constant 16 : i32
    %div3A = arith.divsi %sub3A_34, %jit3A : i32
    %sign3A = arith.constant 0 : i32
    %sign3A_35 = arith.cmpi sgt, %sub3A_34, %sign3A : i32
    %sign3A_36 = arith.extui %sign3A_35 : i1 to i32
    %sign3A_37 = arith.constant 0 : i32
    %sign3A_38 = arith.cmpi slt, %sub3A_34, %sign3A_37 : i32
    %sign3A_39 = arith.extui %sign3A_38 : i1 to i32
    %sign3A_40 = arith.subi %sign3A_36, %sign3A_39 : i32
    %sign3A_41 = arith.constant 0 : i32
    %sign3A_42 = arith.cmpi sgt, %jit3A, %sign3A_41 : i32
    %sign3A_43 = arith.extui %sign3A_42 : i1 to i32
    %sign3A_44 = arith.constant 0 : i32
    %sign3A_45 = arith.cmpi slt, %jit3A, %sign3A_44 : i32
    %sign3A_46 = arith.extui %sign3A_45 : i1 to i32
    %sign3A_47 = arith.subi %sign3A_43, %sign3A_46 : i32
    %ne3A = arith.cmpi ne, %sign3A_40, %sign3A_47 : i32
    %rem3A = arith.remsi %sub3A_34, %jit3A : i32
    %ne3A_48 = arith.constant 0 : i32
    %ne3A_49 = arith.cmpi ne, %rem3A, %ne3A_48 : i32
    %and3A = arith.andi %ne3A, %ne3A_49 : i1
    %sub3A_50 = arith.constant 1 : i32
    %sub3A_51 = arith.subi %div3A, %sub3A_50 : i32
    %select_n3A = arith.select %and3A, %sub3A_51, %div3A : i32
    %while3A = arith.constant 0 : i32
    %while3A_52 = arith.constant 0 : i32
    %while3A_53 = arith.subi %select_n3A, %while3A_52 : i32
    %while3A_54 = arith.addi %while3A_52, %while3A_53 : i32
    %while3A_55 = arith.constant 1 : i32
    %while3A_56 = arith.divsi %while3A_53, %while3A_55 : i32
    %while3A_57 = arith.muli %while3A_56, %while3A_55 : i32
    %while3A_58 = arith.addi %while3A_52, %while3A_57 : i32
    %while3A_59 = arith.constant 1 : i32
    scf.for %while3A_67 = %while3A_52 to %while3A_58 step %while3A_59  : i32 {
      %mul3A_68 = arith.constant 16 : i32
      %mul3A_69 = arith.muli %while3A_67, %mul3A_68 : i32
      %get3A = arith.index_cast %mul3A_69 : i32 to index
      %get3A_70 = tpu.vector_load %arg12[%get3A] {strides = array<i32>} : memref<8192xi32, #tpu.memory_space<vmem>>, vector<16xi32>,
      %get3A_71 = arith.index_cast %mul3A_69 : i32 to index
      %get3A_72 = tpu.vector_load %arg13[%get3A_71] {strides = array<i32>} : memref<8192xi32, #tpu.memory_space<vmem>>, vector<16xi32>,
      %add3A_73 = vector.broadcast %mul3A_69 : i32 to vector<16xi32>
      %add3A_74 = arith.addi %add3A_73, %iota3A : vector<16xi32>
      %lt3A = vector.broadcast %reduce_max3A_26 : i32 to vector<16xi32>
      %lt3A_75 = arith.cmpi slt, %add3A_74, %lt3A : vector<16xi32>
      %jit3A_76 = arith.constant 0 : i32
      %broadcast_in_dim3A_77 = vector.broadcast %jit3A_76 : i32 to vector<16xi32>
      %select_n3A_78 = arith.select %lt3A_75, %get3A_70, %broadcast_in_dim3A_77 : vector<16xi1>, vector<16xi32>
      %jit3A_79 = arith.constant 0 : i32
      %broadcast_in_dim3A_80 = vector.broadcast %jit3A_79 : i32 to vector<16xi32>
      %select_n3A_81 = arith.select %lt3A_75, %get3A_72, %broadcast_in_dim3A_80 : vector<16xi1>, vector<16xi32>
      %mul3A_82 = arith.constant 512 : i32
      %mul3A_83 = vector.broadcast %mul3A_82 : i32 to vector<16xi32>
      %mul3A_84 = arith.muli %select_n3A_81, %mul3A_83 : vector<16xi32>
      %add3A_85 = arith.addi %mul3A_84, %select_n3A_78 : vector<16xi32>
      %gather3A_86 = tpu.vector_load_idx %arg11[%add3A_85] : memref<4096xf32, #tpu.memory_space<vmem>>[vector<16xi32>], vector<16xf32>,
      %add3A_87 = arith.constant 1.000000e+00 : f32
      %add3A_88 = vector.broadcast %add3A_87 : f32 to vector<16xf32>
      %add3A_89 = arith.addf %gather3A_86, %add3A_88 : vector<16xf32>
      %bitcast3A = vector.bitcast %add3A_89 : vector<16xf32> to vector<16xi32>
      %shift_right_arithmetic3A = arith.constant 1 : i32
      %shift_right_arithmetic3A_90 = vector.broadcast %shift_right_arithmetic3A : i32 to vector<16xi32>
      %shift_right_arithmetic3A_91 = arith.shrsi %bitcast3A, %shift_right_arithmetic3A_90 : vector<16xi32>
      %sub3A_92 = arith.constant 1597463007 : i32
      %sub3A_93 = vector.broadcast %sub3A_92 : i32 to vector<16xi32>
      %sub3A_94 = arith.subi %sub3A_93, %shift_right_arithmetic3A_91 : vector<16xi32>
      %bitcast3A_95 = vector.bitcast %sub3A_94 : vector<16xi32> to vector<16xf32>
      %mul3A_96 = arith.constant 5.000000e-01 : f32
      %mul3A_97 = vector.broadcast %mul3A_96 : f32 to vector<16xf32>
      %mul3A_98 = arith.mulf %mul3A_97, %add3A_89 : vector<16xf32>
      %mul3A_99 = arith.mulf %mul3A_98, %bitcast3A_95 : vector<16xf32>
      %mul3A_100 = arith.mulf %mul3A_99, %bitcast3A_95 : vector<16xf32>
      %sub3A_101 = arith.constant 1.500000e+00 : f32
      %sub3A_102 = vector.broadcast %sub3A_101 : f32 to vector<16xf32>
      %sub3A_103 = arith.subf %sub3A_102, %mul3A_100 : vector<16xf32>
      %mul3A_104 = arith.mulf %bitcast3A_95, %sub3A_103 : vector<16xf32>
      %mul3A_105 = arith.mulf %mul3A_98, %mul3A_104 : vector<16xf32>
      %mul3A_106 = arith.mulf %mul3A_105, %mul3A_104 : vector<16xf32>
      %sub3A_107 = arith.constant 1.500000e+00 : f32
      %sub3A_108 = vector.broadcast %sub3A_107 : f32 to vector<16xf32>
      %sub3A_109 = arith.subf %sub3A_108, %mul3A_106 : vector<16xf32>
      %mul3A_110 = arith.mulf %mul3A_104, %sub3A_109 : vector<16xf32>
      %mul3A_111 = arith.mulf %mul3A_98, %mul3A_110 : vector<16xf32>
      %mul3A_112 = arith.mulf %mul3A_111, %mul3A_110 : vector<16xf32>
      %sub3A_113 = arith.constant 1.500000e+00 : f32
      %sub3A_114 = vector.broadcast %sub3A_113 : f32 to vector<16xf32>
      %sub3A_115 = arith.subf %sub3A_114, %mul3A_112 : vector<16xf32>
      %mul3A_116 = arith.mulf %mul3A_110, %sub3A_115 : vector<16xf32>
      %jit3A_117 = arith.constant 0.000000e+00 : f32
      %broadcast_in_dim3A_118 = vector.broadcast %jit3A_117 : f32 to vector<16xf32>
      %select_n3A_119 = arith.select %lt3A_75, %mul3A_116, %broadcast_in_dim3A_118 : vector<16xi1>, vector<16xf32>
      %mul3A_120 = arith.constant 512 : i32
      %mul3A_121 = arith.muli %add3A, %mul3A_120 : i32
      %add3A_122 = vector.broadcast %mul3A_121 : i32 to vector<16xi32>
      %add3A_123 = arith.addi %add3A_122, %select_n3A_78 : vector<16xi32>
      %jit3A_124 = arith.constant 0 : i32
      %broadcast_in_dim3A_125 = vector.broadcast %jit3A_124 : i32 to vector<16xi32>
      %select_n3A_126 = arith.select %lt3A_75, %add3A_123, %broadcast_in_dim3A_125 : vector<16xi1>, vector<16xi32>
      %dma_start3A = arith.constant 0 : i32
      %dma_start3A_127 = arith.constant 0 : i32
      %dma_start3A_128 = tpu.memref_slice %arg2[%dma_start3A, %dma_start3A_127] : memref<16384x256xf32, #tpu.memory_space<hbm>> -> memref<16384x256xf32, #tpu.memory_space<hbm>>
      tpu.enqueue_indirect_dma source(%dma_start3A_128 : memref<16384x256xf32, #tpu.memory_space<hbm>>) target(%arg15 : memref<16x256xf32, #tpu.memory_space<vmem>>) offsets(%select_n3A_126 : vector<16xi32>) semaphore(%arg18 : memref<!tpu.dma_semaphore, #tpu.memory_space<semaphore_mem>>)
      %dma_wait3A = arith.constant 0 : i32
      %dma_wait3A_129 = arith.constant 0 : i32
      %dma_wait3A_130 = tpu.memref_slice %arg2[%dma_wait3A, %dma_wait3A_129] : memref<16384x256xf32, #tpu.memory_space<hbm>> -> memref<16384x256xf32, #tpu.memory_space<hbm>>
      tpu.wait_indirect_dma semaphore(%arg18 : memref<!tpu.dma_semaphore, #tpu.memory_space<semaphore_mem>>) src(%dma_wait3A_130 : memref<16384x256xf32, #tpu.memory_space<hbm>>) dst(%arg15 : memref<16x256xf32, #tpu.memory_space<vmem>>)
      %parallel_loop3A_131 = arith.constant 0 : i32
      %parallel_loop3A_132 = arith.constant 256 : i32
      %parallel_loop3A_133 = arith.constant 1 : i32
      scf.for %parallel_loop3A_134 = %parallel_loop3A_131 to %parallel_loop3A_132 step %parallel_loop3A_133  : i32 {
        %parallel_loop3A_135 = vector.broadcast %parallel_loop3A_134 : i32 to vector<16xi32>
        %parallel_loop3A_136 = tpu.vector_load_idx %arg15[%iota3A, %parallel_loop3A_135] : memref<16x256xf32, #tpu.memory_space<vmem>>[vector<16xi32>, vector<16xi32>], vector<16xf32>,
        %parallel_loop3A_137 = arith.constant 256 : i32
        %parallel_loop3A_138 = vector.broadcast %parallel_loop3A_137 : i32 to vector<16xi32>
        %parallel_loop3A_139 = arith.muli %select_n3A_81, %parallel_loop3A_138 : vector<16xi32>
        %parallel_loop3A_140 = vector.broadcast %parallel_loop3A_134 : i32 to vector<16xi32>
        %parallel_loop3A_141 = arith.addi %parallel_loop3A_139, %parallel_loop3A_140 : vector<16xi32>
        %parallel_loop3A_142 = arith.mulf %select_n3A_119, %parallel_loop3A_136 : vector<16xf32>
        tpu.vector_store_idx %arg14[%parallel_loop3A_141], %parallel_loop3A_142 masked %lt3A_75 {add = true} : memref<2048xf32, #tpu.memory_space<vmem>>[vector<16xi32>], vector<16xf32>, vector<16xi1>
      } {sc.loop_unroll_factor = 4 : i64, sc.parallel_access}
    }
    %while3A_60 = arith.constant 1 : i32
    scf.for %while3A_67 = %while3A_58 to %while3A_54 step %while3A_60  : i32 {
      %mul3A_68 = arith.constant 16 : i32
      %mul3A_69 = arith.muli %while3A_67, %mul3A_68 : i32
      %get3A = arith.index_cast %mul3A_69 : i32 to index
      %get3A_70 = tpu.vector_load %arg12[%get3A] {strides = array<i32>} : memref<8192xi32, #tpu.memory_space<vmem>>, vector<16xi32>,
      %get3A_71 = arith.index_cast %mul3A_69 : i32 to index
      %get3A_72 = tpu.vector_load %arg13[%get3A_71] {strides = array<i32>} : memref<8192xi32, #tpu.memory_space<vmem>>, vector<16xi32>,
      %add3A_73 = vector.broadcast %mul3A_69 : i32 to vector<16xi32>
      %add3A_74 = arith.addi %add3A_73, %iota3A : vector<16xi32>
      %lt3A = vector.broadcast %reduce_max3A_26 : i32 to vector<16xi32>
      %lt3A_75 = arith.cmpi slt, %add3A_74, %lt3A : vector<16xi32>
      %jit3A_76 = arith.constant 0 : i32
      %broadcast_in_dim3A_77 = vector.broadcast %jit3A_76 : i32 to vector<16xi32>
      %select_n3A_78 = arith.select %lt3A_75, %get3A_70, %broadcast_in_dim3A_77 : vector<16xi1>, vector<16xi32>
      %jit3A_79 = arith.constant 0 : i32
      %broadcast_in_dim3A_80 = vector.broadcast %jit3A_79 : i32 to vector<16xi32>
      %select_n3A_81 = arith.select %lt3A_75, %get3A_72, %broadcast_in_dim3A_80 : vector<16xi1>, vector<16xi32>
      %mul3A_82 = arith.constant 512 : i32
      %mul3A_83 = vector.broadcast %mul3A_82 : i32 to vector<16xi32>
      %mul3A_84 = arith.muli %select_n3A_81, %mul3A_83 : vector<16xi32>
      %add3A_85 = arith.addi %mul3A_84, %select_n3A_78 : vector<16xi32>
      %gather3A_86 = tpu.vector_load_idx %arg11[%add3A_85] : memref<4096xf32, #tpu.memory_space<vmem>>[vector<16xi32>], vector<16xf32>,
      %add3A_87 = arith.constant 1.000000e+00 : f32
      %add3A_88 = vector.broadcast %add3A_87 : f32 to vector<16xf32>
      %add3A_89 = arith.addf %gather3A_86, %add3A_88 : vector<16xf32>
      %bitcast3A = vector.bitcast %add3A_89 : vector<16xf32> to vector<16xi32>
      %shift_right_arithmetic3A = arith.constant 1 : i32
      %shift_right_arithmetic3A_90 = vector.broadcast %shift_right_arithmetic3A : i32 to vector<16xi32>
      %shift_right_arithmetic3A_91 = arith.shrsi %bitcast3A, %shift_right_arithmetic3A_90 : vector<16xi32>
      %sub3A_92 = arith.constant 1597463007 : i32
      %sub3A_93 = vector.broadcast %sub3A_92 : i32 to vector<16xi32>
      %sub3A_94 = arith.subi %sub3A_93, %shift_right_arithmetic3A_91 : vector<16xi32>
      %bitcast3A_95 = vector.bitcast %sub3A_94 : vector<16xi32> to vector<16xf32>
      %mul3A_96 = arith.constant 5.000000e-01 : f32
      %mul3A_97 = vector.broadcast %mul3A_96 : f32 to vector<16xf32>
      %mul3A_98 = arith.mulf %mul3A_97, %add3A_89 : vector<16xf32>
      %mul3A_99 = arith.mulf %mul3A_98, %bitcast3A_95 : vector<16xf32>
      %mul3A_100 = arith.mulf %mul3A_99, %bitcast3A_95 : vector<16xf32>
      %sub3A_101 = arith.constant 1.500000e+00 : f32
      %sub3A_102 = vector.broadcast %sub3A_101 : f32 to vector<16xf32>
      %sub3A_103 = arith.subf %sub3A_102, %mul3A_100 : vector<16xf32>
      %mul3A_104 = arith.mulf %bitcast3A_95, %sub3A_103 : vector<16xf32>
      %mul3A_105 = arith.mulf %mul3A_98, %mul3A_104 : vector<16xf32>
      %mul3A_106 = arith.mulf %mul3A_105, %mul3A_104 : vector<16xf32>
      %sub3A_107 = arith.constant 1.500000e+00 : f32
      %sub3A_108 = vector.broadcast %sub3A_107 : f32 to vector<16xf32>
      %sub3A_109 = arith.subf %sub3A_108, %mul3A_106 : vector<16xf32>
      %mul3A_110 = arith.mulf %mul3A_104, %sub3A_109 : vector<16xf32>
      %mul3A_111 = arith.mulf %mul3A_98, %mul3A_110 : vector<16xf32>
      %mul3A_112 = arith.mulf %mul3A_111, %mul3A_110 : vector<16xf32>
      %sub3A_113 = arith.constant 1.500000e+00 : f32
      %sub3A_114 = vector.broadcast %sub3A_113 : f32 to vector<16xf32>
      %sub3A_115 = arith.subf %sub3A_114, %mul3A_112 : vector<16xf32>
      %mul3A_116 = arith.mulf %mul3A_110, %sub3A_115 : vector<16xf32>
      %jit3A_117 = arith.constant 0.000000e+00 : f32
      %broadcast_in_dim3A_118 = vector.broadcast %jit3A_117 : f32 to vector<16xf32>
      %select_n3A_119 = arith.select %lt3A_75, %mul3A_116, %broadcast_in_dim3A_118 : vector<16xi1>, vector<16xf32>
      %mul3A_120 = arith.constant 512 : i32
      %mul3A_121 = arith.muli %add3A, %mul3A_120 : i32
      %add3A_122 = vector.broadcast %mul3A_121 : i32 to vector<16xi32>
      %add3A_123 = arith.addi %add3A_122, %select_n3A_78 : vector<16xi32>
      %jit3A_124 = arith.constant 0 : i32
      %broadcast_in_dim3A_125 = vector.broadcast %jit3A_124 : i32 to vector<16xi32>
      %select_n3A_126 = arith.select %lt3A_75, %add3A_123, %broadcast_in_dim3A_125 : vector<16xi1>, vector<16xi32>
      %dma_start3A = arith.constant 0 : i32
      %dma_start3A_127 = arith.constant 0 : i32
      %dma_start3A_128 = tpu.memref_slice %arg2[%dma_start3A, %dma_start3A_127] : memref<16384x256xf32, #tpu.memory_space<hbm>> -> memref<16384x256xf32, #tpu.memory_space<hbm>>
      tpu.enqueue_indirect_dma source(%dma_start3A_128 : memref<16384x256xf32, #tpu.memory_space<hbm>>) target(%arg15 : memref<16x256xf32, #tpu.memory_space<vmem>>) offsets(%select_n3A_126 : vector<16xi32>) semaphore(%arg18 : memref<!tpu.dma_semaphore, #tpu.memory_space<semaphore_mem>>)
      %dma_wait3A = arith.constant 0 : i32
      %dma_wait3A_129 = arith.constant 0 : i32
      %dma_wait3A_130 = tpu.memref_slice %arg2[%dma_wait3A, %dma_wait3A_129] : memref<16384x256xf32, #tpu.memory_space<hbm>> -> memref<16384x256xf32, #tpu.memory_space<hbm>>
      tpu.wait_indirect_dma semaphore(%arg18 : memref<!tpu.dma_semaphore, #tpu.memory_space<semaphore_mem>>) src(%dma_wait3A_130 : memref<16384x256xf32, #tpu.memory_space<hbm>>) dst(%arg15 : memref<16x256xf32, #tpu.memory_space<vmem>>)
      %parallel_loop3A_131 = arith.constant 0 : i32
      %parallel_loop3A_132 = arith.constant 256 : i32
      %parallel_loop3A_133 = arith.constant 1 : i32
      scf.for %parallel_loop3A_134 = %parallel_loop3A_131 to %parallel_loop3A_132 step %parallel_loop3A_133  : i32 {
        %parallel_loop3A_135 = vector.broadcast %parallel_loop3A_134 : i32 to vector<16xi32>
        %parallel_loop3A_136 = tpu.vector_load_idx %arg15[%iota3A, %parallel_loop3A_135] : memref<16x256xf32, #tpu.memory_space<vmem>>[vector<16xi32>, vector<16xi32>], vector<16xf32>,
        %parallel_loop3A_137 = arith.constant 256 : i32
        %parallel_loop3A_138 = vector.broadcast %parallel_loop3A_137 : i32 to vector<16xi32>
        %parallel_loop3A_139 = arith.muli %select_n3A_81, %parallel_loop3A_138 : vector<16xi32>
        %parallel_loop3A_140 = vector.broadcast %parallel_loop3A_134 : i32 to vector<16xi32>
        %parallel_loop3A_141 = arith.addi %parallel_loop3A_139, %parallel_loop3A_140 : vector<16xi32>
        %parallel_loop3A_142 = arith.mulf %select_n3A_119, %parallel_loop3A_136 : vector<16xf32>
        tpu.vector_store_idx %arg14[%parallel_loop3A_141], %parallel_loop3A_142 masked %lt3A_75 {add = true} : memref<2048xf32, #tpu.memory_space<vmem>>[vector<16xi32>], vector<16xf32>, vector<16xi1>
      } {sc.loop_unroll_factor = 4 : i64, sc.parallel_access}
    }
    %mul3A_61 = arith.constant 512 : i32
    %mul3A_62 = vector.broadcast %mul3A_61 : i32 to vector<16xi32>
    %mul3A_63 = arith.muli %iota3A, %mul3A_62 : vector<16xi32>
    %min3A = arith.constant 4095 : i32
    %min3A_64 = vector.broadcast %min3A : i32 to vector<16xi32>
    %min3A_65 = arith.minsi %mul3A_63, %min3A_64 : vector<16xi32>
    %gather3A = tpu.vector_load_idx %arg11[%min3A_65] : memref<4096xf32, #tpu.memory_space<vmem>>[vector<16xi32>], vector<16xf32>,
    %swap3A = arith.constant 0 : index
    %swap3A_66 = tpu.vector_load %arg16[%swap3A] {strides = array<i32>} : memref<16xf32, #tpu.memory_space<vmem>>, vector<16xf32>,
    tpu.vector_store %arg16[%swap3A], %gather3A {strides = array<i32>} : memref<16xf32, #tpu.memory_space<vmem>>, vector<16xf32>,
    "tpu.region"() ({
      %run_scoped3A_67 = tpu.sem_alloc : memref<!tpu.dma_semaphore, #tpu.memory_space<semaphore_mem>>
      %dma_start3A = arith.constant 0 : i32
      %dma_start3A_68 = tpu.memref_slice %arg6[%add3A, %dma_start3A] : memref<32x16xf32, #tpu.memory_space<hbm>> -> memref<1x16xf32, #tpu.memory_space<hbm>>
      %dma_start3A_69 = tpu.memref_squeeze %dma_start3A_68 : memref<1x16xf32, #tpu.memory_space<hbm>> -> memref<16xf32, #tpu.memory_space<hbm>>
      %dma_start3A_70 = arith.constant 0 : i32
      %dma_start3A_71 = tpu.memref_slice %arg6[%add3A, %dma_start3A_70] : memref<32x16xf32, #tpu.memory_space<hbm>> -> memref<1x16xf32, #tpu.memory_space<hbm>>
      %dma_start3A_72 = tpu.memref_squeeze %dma_start3A_71 : memref<1x16xf32, #tpu.memory_space<hbm>> -> memref<16xf32, #tpu.memory_space<hbm>>
      tpu.enqueue_dma source(%arg16 : memref<16xf32, #tpu.memory_space<vmem>>) target(%dma_start3A_72 : memref<16xf32, #tpu.memory_space<hbm>>) target_semaphore(%run_scoped3A_67 : memref<!tpu.dma_semaphore, #tpu.memory_space<semaphore_mem>>)
      %dma_wait3A = arith.constant 0 : i32
      %dma_wait3A_73 = tpu.memref_slice %arg6[%add3A, %dma_wait3A] : memref<32x16xf32, #tpu.memory_space<hbm>> -> memref<1x16xf32, #tpu.memory_space<hbm>>
      %dma_wait3A_74 = tpu.memref_squeeze %dma_wait3A_73 : memref<1x16xf32, #tpu.memory_space<hbm>> -> memref<16xf32, #tpu.memory_space<hbm>>
      %dma_wait3A_75 = arith.constant 0 : i32
      %dma_wait3A_76 = tpu.memref_slice %arg6[%add3A, %dma_wait3A_75] : memref<32x16xf32, #tpu.memory_space<hbm>> -> memref<1x16xf32, #tpu.memory_space<hbm>>
      %dma_wait3A_77 = tpu.memref_squeeze %dma_wait3A_76 : memref<1x16xf32, #tpu.memory_space<hbm>> -> memref<16xf32, #tpu.memory_space<hbm>>
      tpu.wait_dma2 semaphore(%run_scoped3A_67 : memref<!tpu.dma_semaphore, #tpu.memory_space<semaphore_mem>>) src(%arg16 : memref<16xf32, #tpu.memory_space<vmem>>) dst(%dma_wait3A_77 : memref<16xf32, #tpu.memory_space<hbm>>)
      tpu.yield
    }) : () -> ()
    "tpu.region"() ({
      %run_scoped3A_67 = tpu.sem_alloc : memref<!tpu.dma_semaphore, #tpu.memory_space<semaphore_mem>>
      %dma_start3A = arith.constant 0 : i32
      %dma_start3A_68 = tpu.memref_slice %arg5[%add3A, %dma_start3A] : memref<32x2048xf32, #tpu.memory_space<hbm>> -> memref<1x2048xf32, #tpu.memory_space<hbm>>
      %dma_start3A_69 = tpu.memref_squeeze %dma_start3A_68 : memref<1x2048xf32, #tpu.memory_space<hbm>> -> memref<2048xf32, #tpu.memory_space<hbm>>
      %dma_start3A_70 = arith.constant 0 : i32
      %dma_start3A_71 = tpu.memref_slice %arg5[%add3A, %dma_start3A_70] : memref<32x2048xf32, #tpu.memory_space<hbm>> -> memref<1x2048xf32, #tpu.memory_space<hbm>>
      %dma_start3A_72 = tpu.memref_squeeze %dma_start3A_71 : memref<1x2048xf32, #tpu.memory_space<hbm>> -> memref<2048xf32, #tpu.memory_space<hbm>>
      tpu.enqueue_dma source(%arg14 : memref<2048xf32, #tpu.memory_space<vmem>>) target(%dma_start3A_72 : memref<2048xf32, #tpu.memory_space<hbm>>) target_semaphore(%run_scoped3A_67 : memref<!tpu.dma_semaphore, #tpu.memory_space<semaphore_mem>>)
      %dma_wait3A = arith.constant 0 : i32
      %dma_wait3A_73 = tpu.memref_slice %arg5[%add3A, %dma_wait3A] : memref<32x2048xf32, #tpu.memory_space<hbm>> -> memref<1x2048xf32, #tpu.memory_space<hbm>>
      %dma_wait3A_74 = tpu.memref_squeeze %dma_wait3A_73 : memref<1x2048xf32, #tpu.memory_space<hbm>> -> memref<2048xf32, #tpu.memory_space<hbm>>
      %dma_wait3A_75 = arith.constant 0 : i32
      %dma_wait3A_76 = tpu.memref_slice %arg5[%add3A, %dma_wait3A_75] : memref<32x2048xf32, #tpu.memory_space<hbm>> -> memref<1x2048xf32, #tpu.memory_space<hbm>>
      %dma_wait3A_77 = tpu.memref_squeeze %dma_wait3A_76 : memref<1x2048xf32, #tpu.memory_space<hbm>> -> memref<2048xf32, #tpu.memory_space<hbm>>
      tpu.wait_dma2 semaphore(%run_scoped3A_67 : memref<!tpu.dma_semaphore, #tpu.memory_space<semaphore_mem>>) src(%arg14 : memref<2048xf32, #tpu.memory_space<vmem>>) dst(%dma_wait3A_77 : memref<2048xf32, #tpu.memory_space<hbm>>)
      tpu.yield
    }) : () -> ()
    return
  }
}

module attributes {stable_mosaic.version = 14 : i64} {
  func.func @_tc_body(%arg0: memref<32x8x256xf32, #tpu.memory_space<vmem>>, %arg1: memref<32x16xf32, #tpu.memory_space<vmem>>, %arg2: memref<32x256xf32, #tpu.memory_space<vmem>>, %arg3: memref<8x256x256xf32, #tpu.memory_space<vmem>>, %arg4: memref<256x256xf32, #tpu.memory_space<vmem>>, %arg5: memref<256x10000xf32, #tpu.memory_space<vmem>>, %arg6: memref<1x10000xf32, #tpu.memory_space<vmem>>, %arg7: memref<256x2000xf32, #tpu.memory_space<vmem>>, %arg8: memref<1x2000xf32, #tpu.memory_space<vmem>>, %arg9: memref<32x10000xf32, #tpu.memory_space<vmem>>, %arg10: memref<32x2000xf32, #tpu.memory_space<vmem>>) attributes {dimension_semantics = [], scalar_prefetch = 0 : i64, scratch_operands = 0 : i64, tpu.core_type = #tpu.core_type<tc>} {
    %get3A = arith.constant 0 : index
    %get3A_0 = arith.constant 0 : index
    %get3A_1 = vector.load %arg1[%get3A, %get3A_0] : memref<32x16xf32, #tpu.memory_space<vmem>>, vector<32x16xf32>
    %add3A = arith.constant 1.000000e+00 : f32
    %add3A_2 = vector.broadcast %add3A : f32 to vector<32x16xf32>
    %add3A_3 = arith.addf %get3A_1, %add3A_2 : vector<32x16xf32>
    %rsqrt3A = math.rsqrt %add3A_3 : vector<32x16xf32>
    %get3A_4 = arith.constant 0 : index
    %get3A_5 = arith.constant 0 : index
    %get3A_6 = vector.load %arg2[%get3A_4, %get3A_5] : memref<32x256xf32, #tpu.memory_space<vmem>>, vector<32x256xf32>
    %get3A_7 = arith.constant 0 : index
    %get3A_8 = arith.constant 0 : index
    %get3A_9 = vector.load %arg4[%get3A_7, %get3A_8] : memref<256x256xf32, #tpu.memory_space<vmem>>, vector<256x256xf32>
    %dot_general3A = arith.constant dense<0.000000e+00> : vector<32x256xf32>
    %dot_general3A_10 = tpu.matmul %get3A_6, %get3A_9, %dot_general3A {dimension_numbers = #tpu.dot_dimension_numbers<[1], [0], [0], [1], [0, 0, 1, 1], [], []>, transpose_lhs_hint = false} : vector<32x256xf32>, vector<256x256xf32>, vector<32x256xf32> -> vector<32x256xf32>
    %slice3A = vector.extract_strided_slice %rsqrt3A {offsets = [0, 0], sizes = [32, 1], strides = [1, 1]} : vector<32x16xf32> to vector<32x1xf32>
    %get3A_11 = arith.constant 0 : index
    %get3A_12 = arith.constant 0 : index
    %get3A_13 = arith.constant 0 : index
    %get3A_14 = vector.load %arg0[%get3A_11, %get3A_12, %get3A_13] : memref<32x8x256xf32, #tpu.memory_space<vmem>>, vector<32x1x256xf32>
    %get3A_15 = vector.shape_cast %get3A_14 : vector<32x1x256xf32> to vector<32x256xf32>
    %mul3A = vector.broadcast %slice3A : vector<32x1xf32> to vector<32x256xf32>
    %mul3A_16 = arith.mulf %get3A_15, %mul3A : vector<32x256xf32>
    %mul3A_17 = arith.mulf %slice3A, %slice3A : vector<32x1xf32>
    %mul3A_18 = vector.broadcast %mul3A_17 : vector<32x1xf32> to vector<32x256xf32>
    %mul3A_19 = arith.mulf %get3A_6, %mul3A_18 : vector<32x256xf32>
    %add3A_20 = arith.addf %mul3A_16, %mul3A_19 : vector<32x256xf32>
    %get3A_21 = arith.constant 0 : index
    %get3A_22 = arith.constant 0 : index
    %get3A_23 = arith.constant 0 : index
    %get3A_24 = vector.load %arg3[%get3A_21, %get3A_22, %get3A_23] : memref<8x256x256xf32, #tpu.memory_space<vmem>>, vector<1x256x256xf32>
    %get3A_25 = vector.shape_cast %get3A_24 : vector<1x256x256xf32> to vector<256x256xf32>
    %dot_general3A_26 = arith.constant dense<0.000000e+00> : vector<32x256xf32>
    %dot_general3A_27 = tpu.matmul %add3A_20, %get3A_25, %dot_general3A_26 {dimension_numbers = #tpu.dot_dimension_numbers<[1], [0], [0], [1], [0, 0, 1, 1], [], []>, transpose_lhs_hint = false} : vector<32x256xf32>, vector<256x256xf32>, vector<32x256xf32> -> vector<32x256xf32>
    %add3A_28 = arith.addf %dot_general3A_10, %dot_general3A_27 : vector<32x256xf32>
    %slice3A_29 = vector.extract_strided_slice %rsqrt3A {offsets = [0, 1], sizes = [32, 1], strides = [1, 1]} : vector<32x16xf32> to vector<32x1xf32>
    %get3A_30 = arith.constant 0 : index
    %get3A_31 = arith.constant 1 : index
    %get3A_32 = arith.constant 0 : index
    %get3A_33 = vector.load %arg0[%get3A_30, %get3A_31, %get3A_32] : memref<32x8x256xf32, #tpu.memory_space<vmem>>, vector<32x1x256xf32>
    %get3A_34 = vector.shape_cast %get3A_33 : vector<32x1x256xf32> to vector<32x256xf32>
    %mul3A_35 = vector.broadcast %slice3A_29 : vector<32x1xf32> to vector<32x256xf32>
    %mul3A_36 = arith.mulf %get3A_34, %mul3A_35 : vector<32x256xf32>
    %mul3A_37 = arith.mulf %slice3A_29, %slice3A_29 : vector<32x1xf32>
    %mul3A_38 = vector.broadcast %mul3A_37 : vector<32x1xf32> to vector<32x256xf32>
    %mul3A_39 = arith.mulf %get3A_6, %mul3A_38 : vector<32x256xf32>
    %add3A_40 = arith.addf %mul3A_36, %mul3A_39 : vector<32x256xf32>
    %get3A_41 = arith.constant 1 : index
    %get3A_42 = arith.constant 0 : index
    %get3A_43 = arith.constant 0 : index
    %get3A_44 = vector.load %arg3[%get3A_41, %get3A_42, %get3A_43] : memref<8x256x256xf32, #tpu.memory_space<vmem>>, vector<1x256x256xf32>
    %get3A_45 = vector.shape_cast %get3A_44 : vector<1x256x256xf32> to vector<256x256xf32>
    %dot_general3A_46 = arith.constant dense<0.000000e+00> : vector<32x256xf32>
    %dot_general3A_47 = tpu.matmul %add3A_40, %get3A_45, %dot_general3A_46 {dimension_numbers = #tpu.dot_dimension_numbers<[1], [0], [0], [1], [0, 0, 1, 1], [], []>, transpose_lhs_hint = false} : vector<32x256xf32>, vector<256x256xf32>, vector<32x256xf32> -> vector<32x256xf32>
    %add3A_48 = arith.addf %add3A_28, %dot_general3A_47 : vector<32x256xf32>
    %slice3A_49 = vector.extract_strided_slice %rsqrt3A {offsets = [0, 2], sizes = [32, 1], strides = [1, 1]} : vector<32x16xf32> to vector<32x1xf32>
    %get3A_50 = arith.constant 0 : index
    %get3A_51 = arith.constant 2 : index
    %get3A_52 = arith.constant 0 : index
    %get3A_53 = vector.load %arg0[%get3A_50, %get3A_51, %get3A_52] : memref<32x8x256xf32, #tpu.memory_space<vmem>>, vector<32x1x256xf32>
    %get3A_54 = vector.shape_cast %get3A_53 : vector<32x1x256xf32> to vector<32x256xf32>
    %mul3A_55 = vector.broadcast %slice3A_49 : vector<32x1xf32> to vector<32x256xf32>
    %mul3A_56 = arith.mulf %get3A_54, %mul3A_55 : vector<32x256xf32>
    %mul3A_57 = arith.mulf %slice3A_49, %slice3A_49 : vector<32x1xf32>
    %mul3A_58 = vector.broadcast %mul3A_57 : vector<32x1xf32> to vector<32x256xf32>
    %mul3A_59 = arith.mulf %get3A_6, %mul3A_58 : vector<32x256xf32>
    %add3A_60 = arith.addf %mul3A_56, %mul3A_59 : vector<32x256xf32>
    %get3A_61 = arith.constant 2 : index
    %get3A_62 = arith.constant 0 : index
    %get3A_63 = arith.constant 0 : index
    %get3A_64 = vector.load %arg3[%get3A_61, %get3A_62, %get3A_63] : memref<8x256x256xf32, #tpu.memory_space<vmem>>, vector<1x256x256xf32>
    %get3A_65 = vector.shape_cast %get3A_64 : vector<1x256x256xf32> to vector<256x256xf32>
    %dot_general3A_66 = arith.constant dense<0.000000e+00> : vector<32x256xf32>
    %dot_general3A_67 = tpu.matmul %add3A_60, %get3A_65, %dot_general3A_66 {dimension_numbers = #tpu.dot_dimension_numbers<[1], [0], [0], [1], [0, 0, 1, 1], [], []>, transpose_lhs_hint = false} : vector<32x256xf32>, vector<256x256xf32>, vector<32x256xf32> -> vector<32x256xf32>
    %add3A_68 = arith.addf %add3A_48, %dot_general3A_67 : vector<32x256xf32>
    %slice3A_69 = vector.extract_strided_slice %rsqrt3A {offsets = [0, 3], sizes = [32, 1], strides = [1, 1]} : vector<32x16xf32> to vector<32x1xf32>
    %get3A_70 = arith.constant 0 : index
    %get3A_71 = arith.constant 3 : index
    %get3A_72 = arith.constant 0 : index
    %get3A_73 = vector.load %arg0[%get3A_70, %get3A_71, %get3A_72] : memref<32x8x256xf32, #tpu.memory_space<vmem>>, vector<32x1x256xf32>
    %get3A_74 = vector.shape_cast %get3A_73 : vector<32x1x256xf32> to vector<32x256xf32>
    %mul3A_75 = vector.broadcast %slice3A_69 : vector<32x1xf32> to vector<32x256xf32>
    %mul3A_76 = arith.mulf %get3A_74, %mul3A_75 : vector<32x256xf32>
    %mul3A_77 = arith.mulf %slice3A_69, %slice3A_69 : vector<32x1xf32>
    %mul3A_78 = vector.broadcast %mul3A_77 : vector<32x1xf32> to vector<32x256xf32>
    %mul3A_79 = arith.mulf %get3A_6, %mul3A_78 : vector<32x256xf32>
    %add3A_80 = arith.addf %mul3A_76, %mul3A_79 : vector<32x256xf32>
    %get3A_81 = arith.constant 3 : index
    %get3A_82 = arith.constant 0 : index
    %get3A_83 = arith.constant 0 : index
    %get3A_84 = vector.load %arg3[%get3A_81, %get3A_82, %get3A_83] : memref<8x256x256xf32, #tpu.memory_space<vmem>>, vector<1x256x256xf32>
    %get3A_85 = vector.shape_cast %get3A_84 : vector<1x256x256xf32> to vector<256x256xf32>
    %dot_general3A_86 = arith.constant dense<0.000000e+00> : vector<32x256xf32>
    %dot_general3A_87 = tpu.matmul %add3A_80, %get3A_85, %dot_general3A_86 {dimension_numbers = #tpu.dot_dimension_numbers<[1], [0], [0], [1], [0, 0, 1, 1], [], []>, transpose_lhs_hint = false} : vector<32x256xf32>, vector<256x256xf32>, vector<32x256xf32> -> vector<32x256xf32>
    %add3A_88 = arith.addf %add3A_68, %dot_general3A_87 : vector<32x256xf32>
    %slice3A_89 = vector.extract_strided_slice %rsqrt3A {offsets = [0, 4], sizes = [32, 1], strides = [1, 1]} : vector<32x16xf32> to vector<32x1xf32>
    %get3A_90 = arith.constant 0 : index
    %get3A_91 = arith.constant 4 : index
    %get3A_92 = arith.constant 0 : index
    %get3A_93 = vector.load %arg0[%get3A_90, %get3A_91, %get3A_92] : memref<32x8x256xf32, #tpu.memory_space<vmem>>, vector<32x1x256xf32>
    %get3A_94 = vector.shape_cast %get3A_93 : vector<32x1x256xf32> to vector<32x256xf32>
    %mul3A_95 = vector.broadcast %slice3A_89 : vector<32x1xf32> to vector<32x256xf32>
    %mul3A_96 = arith.mulf %get3A_94, %mul3A_95 : vector<32x256xf32>
    %mul3A_97 = arith.mulf %slice3A_89, %slice3A_89 : vector<32x1xf32>
    %mul3A_98 = vector.broadcast %mul3A_97 : vector<32x1xf32> to vector<32x256xf32>
    %mul3A_99 = arith.mulf %get3A_6, %mul3A_98 : vector<32x256xf32>
    %add3A_100 = arith.addf %mul3A_96, %mul3A_99 : vector<32x256xf32>
    %get3A_101 = arith.constant 4 : index
    %get3A_102 = arith.constant 0 : index
    %get3A_103 = arith.constant 0 : index
    %get3A_104 = vector.load %arg3[%get3A_101, %get3A_102, %get3A_103] : memref<8x256x256xf32, #tpu.memory_space<vmem>>, vector<1x256x256xf32>
    %get3A_105 = vector.shape_cast %get3A_104 : vector<1x256x256xf32> to vector<256x256xf32>
    %dot_general3A_106 = arith.constant dense<0.000000e+00> : vector<32x256xf32>
    %dot_general3A_107 = tpu.matmul %add3A_100, %get3A_105, %dot_general3A_106 {dimension_numbers = #tpu.dot_dimension_numbers<[1], [0], [0], [1], [0, 0, 1, 1], [], []>, transpose_lhs_hint = false} : vector<32x256xf32>, vector<256x256xf32>, vector<32x256xf32> -> vector<32x256xf32>
    %add3A_108 = arith.addf %add3A_88, %dot_general3A_107 : vector<32x256xf32>
    %slice3A_109 = vector.extract_strided_slice %rsqrt3A {offsets = [0, 5], sizes = [32, 1], strides = [1, 1]} : vector<32x16xf32> to vector<32x1xf32>
    %get3A_110 = arith.constant 0 : index
    %get3A_111 = arith.constant 5 : index
    %get3A_112 = arith.constant 0 : index
    %get3A_113 = vector.load %arg0[%get3A_110, %get3A_111, %get3A_112] : memref<32x8x256xf32, #tpu.memory_space<vmem>>, vector<32x1x256xf32>
    %get3A_114 = vector.shape_cast %get3A_113 : vector<32x1x256xf32> to vector<32x256xf32>
    %mul3A_115 = vector.broadcast %slice3A_109 : vector<32x1xf32> to vector<32x256xf32>
    %mul3A_116 = arith.mulf %get3A_114, %mul3A_115 : vector<32x256xf32>
    %mul3A_117 = arith.mulf %slice3A_109, %slice3A_109 : vector<32x1xf32>
    %mul3A_118 = vector.broadcast %mul3A_117 : vector<32x1xf32> to vector<32x256xf32>
    %mul3A_119 = arith.mulf %get3A_6, %mul3A_118 : vector<32x256xf32>
    %add3A_120 = arith.addf %mul3A_116, %mul3A_119 : vector<32x256xf32>
    %get3A_121 = arith.constant 5 : index
    %get3A_122 = arith.constant 0 : index
    %get3A_123 = arith.constant 0 : index
    %get3A_124 = vector.load %arg3[%get3A_121, %get3A_122, %get3A_123] : memref<8x256x256xf32, #tpu.memory_space<vmem>>, vector<1x256x256xf32>
    %get3A_125 = vector.shape_cast %get3A_124 : vector<1x256x256xf32> to vector<256x256xf32>
    %dot_general3A_126 = arith.constant dense<0.000000e+00> : vector<32x256xf32>
    %dot_general3A_127 = tpu.matmul %add3A_120, %get3A_125, %dot_general3A_126 {dimension_numbers = #tpu.dot_dimension_numbers<[1], [0], [0], [1], [0, 0, 1, 1], [], []>, transpose_lhs_hint = false} : vector<32x256xf32>, vector<256x256xf32>, vector<32x256xf32> -> vector<32x256xf32>
    %add3A_128 = arith.addf %add3A_108, %dot_general3A_127 : vector<32x256xf32>
    %slice3A_129 = vector.extract_strided_slice %rsqrt3A {offsets = [0, 6], sizes = [32, 1], strides = [1, 1]} : vector<32x16xf32> to vector<32x1xf32>
    %get3A_130 = arith.constant 0 : index
    %get3A_131 = arith.constant 6 : index
    %get3A_132 = arith.constant 0 : index
    %get3A_133 = vector.load %arg0[%get3A_130, %get3A_131, %get3A_132] : memref<32x8x256xf32, #tpu.memory_space<vmem>>, vector<32x1x256xf32>
    %get3A_134 = vector.shape_cast %get3A_133 : vector<32x1x256xf32> to vector<32x256xf32>
    %mul3A_135 = vector.broadcast %slice3A_129 : vector<32x1xf32> to vector<32x256xf32>
    %mul3A_136 = arith.mulf %get3A_134, %mul3A_135 : vector<32x256xf32>
    %mul3A_137 = arith.mulf %slice3A_129, %slice3A_129 : vector<32x1xf32>
    %mul3A_138 = vector.broadcast %mul3A_137 : vector<32x1xf32> to vector<32x256xf32>
    %mul3A_139 = arith.mulf %get3A_6, %mul3A_138 : vector<32x256xf32>
    %add3A_140 = arith.addf %mul3A_136, %mul3A_139 : vector<32x256xf32>
    %get3A_141 = arith.constant 6 : index
    %get3A_142 = arith.constant 0 : index
    %get3A_143 = arith.constant 0 : index
    %get3A_144 = vector.load %arg3[%get3A_141, %get3A_142, %get3A_143] : memref<8x256x256xf32, #tpu.memory_space<vmem>>, vector<1x256x256xf32>
    %get3A_145 = vector.shape_cast %get3A_144 : vector<1x256x256xf32> to vector<256x256xf32>
    %dot_general3A_146 = arith.constant dense<0.000000e+00> : vector<32x256xf32>
    %dot_general3A_147 = tpu.matmul %add3A_140, %get3A_145, %dot_general3A_146 {dimension_numbers = #tpu.dot_dimension_numbers<[1], [0], [0], [1], [0, 0, 1, 1], [], []>, transpose_lhs_hint = false} : vector<32x256xf32>, vector<256x256xf32>, vector<32x256xf32> -> vector<32x256xf32>
    %add3A_148 = arith.addf %add3A_128, %dot_general3A_147 : vector<32x256xf32>
    %slice3A_149 = vector.extract_strided_slice %rsqrt3A {offsets = [0, 7], sizes = [32, 1], strides = [1, 1]} : vector<32x16xf32> to vector<32x1xf32>
    %get3A_150 = arith.constant 0 : index
    %get3A_151 = arith.constant 7 : index
    %get3A_152 = arith.constant 0 : index
    %get3A_153 = vector.load %arg0[%get3A_150, %get3A_151, %get3A_152] : memref<32x8x256xf32, #tpu.memory_space<vmem>>, vector<32x1x256xf32>
    %get3A_154 = vector.shape_cast %get3A_153 : vector<32x1x256xf32> to vector<32x256xf32>
    %mul3A_155 = vector.broadcast %slice3A_149 : vector<32x1xf32> to vector<32x256xf32>
    %mul3A_156 = arith.mulf %get3A_154, %mul3A_155 : vector<32x256xf32>
    %mul3A_157 = arith.mulf %slice3A_149, %slice3A_149 : vector<32x1xf32>
    %mul3A_158 = vector.broadcast %mul3A_157 : vector<32x1xf32> to vector<32x256xf32>
    %mul3A_159 = arith.mulf %get3A_6, %mul3A_158 : vector<32x256xf32>
    %add3A_160 = arith.addf %mul3A_156, %mul3A_159 : vector<32x256xf32>
    %get3A_161 = arith.constant 7 : index
    %get3A_162 = arith.constant 0 : index
    %get3A_163 = arith.constant 0 : index
    %get3A_164 = vector.load %arg3[%get3A_161, %get3A_162, %get3A_163] : memref<8x256x256xf32, #tpu.memory_space<vmem>>, vector<1x256x256xf32>
    %get3A_165 = vector.shape_cast %get3A_164 : vector<1x256x256xf32> to vector<256x256xf32>
    %dot_general3A_166 = arith.constant dense<0.000000e+00> : vector<32x256xf32>
    %dot_general3A_167 = tpu.matmul %add3A_160, %get3A_165, %dot_general3A_166 {dimension_numbers = #tpu.dot_dimension_numbers<[1], [0], [0], [1], [0, 0, 1, 1], [], []>, transpose_lhs_hint = false} : vector<32x256xf32>, vector<256x256xf32>, vector<32x256xf32> -> vector<32x256xf32>
    %add3A_168 = arith.addf %add3A_148, %dot_general3A_167 : vector<32x256xf32>
    %ge3A = arith.constant 0.000000e+00 : f32
    %ge3A_169 = vector.broadcast %ge3A : f32 to vector<32x256xf32>
    %ge3A_170 = arith.cmpf oge, %add3A_168, %ge3A_169 : vector<32x256xf32>
    %mul3A_171 = arith.constant 1.000000e-01 : f32
    %mul3A_172 = vector.broadcast %mul3A_171 : f32 to vector<32x256xf32>
    %mul3A_173 = arith.mulf %mul3A_172, %add3A_168 : vector<32x256xf32>
    %select_n3A = arith.select %ge3A_170, %add3A_168, %mul3A_173 : vector<32x256xi1>, vector<32x256xf32>
    %get3A_174 = arith.constant 0 : index
    %get3A_175 = arith.constant 0 : index
    %get3A_176 = vector.load %arg5[%get3A_174, %get3A_175] : memref<256x10000xf32, #tpu.memory_space<vmem>>, vector<256x10000xf32>
    %dot_general3A_177 = arith.constant dense<0.000000e+00> : vector<32x10000xf32>
    %dot_general3A_178 = tpu.matmul %select_n3A, %get3A_176, %dot_general3A_177 {dimension_numbers = #tpu.dot_dimension_numbers<[1], [0], [0], [1], [0, 0, 1, 1], [], []>, transpose_lhs_hint = false} : vector<32x256xf32>, vector<256x10000xf32>, vector<32x10000xf32> -> vector<32x10000xf32>
    %get3A_179 = arith.constant 0 : index
    %get3A_180 = arith.constant 0 : index
    %get3A_181 = vector.load %arg6[%get3A_179, %get3A_180] : memref<1x10000xf32, #tpu.memory_space<vmem>>, vector<1x10000xf32>
    %add3A_182 = vector.broadcast %get3A_181 : vector<1x10000xf32> to vector<32x10000xf32>
    %add3A_183 = arith.addf %dot_general3A_178, %add3A_182 : vector<32x10000xf32>
    %reduce_max3A = arith.constant dense<0xFF800000> : vector<32xf32>
    %reduce_max3A_184 = vector.multi_reduction <maximumf>, %add3A_183, %reduce_max3A [1] : vector<32x10000xf32> to vector<32xf32>
    %broadcast_in_dim3A = vector.shape_cast %reduce_max3A_184 : vector<32xf32> to vector<32x1xf32>
    %sub3A = vector.broadcast %broadcast_in_dim3A : vector<32x1xf32> to vector<32x10000xf32>
    %sub3A_185 = arith.subf %add3A_183, %sub3A : vector<32x10000xf32>
    %exp3A = math.exp %sub3A_185 : vector<32x10000xf32>
    %sub3A_186 = vector.broadcast %broadcast_in_dim3A : vector<32x1xf32> to vector<32x10000xf32>
    %sub3A_187 = arith.subf %add3A_183, %sub3A_186 : vector<32x10000xf32>
    %reduce_sum3A = arith.constant dense<0.000000e+00> : vector<32xf32>
    %reduce_sum3A_188 = vector.multi_reduction <add>, %exp3A, %reduce_sum3A [1] : vector<32x10000xf32> to vector<32xf32>
    %broadcast_in_dim3A_189 = vector.shape_cast %reduce_sum3A_188 : vector<32xf32> to vector<32x1xf32>
    %log3A = math.log %broadcast_in_dim3A_189 : vector<32x1xf32>
    %sub3A_190 = vector.broadcast %log3A : vector<32x1xf32> to vector<32x10000xf32>
    %sub3A_191 = arith.subf %sub3A_187, %sub3A_190 : vector<32x10000xf32>
    %swap3A = arith.constant 0 : index
    %swap3A_192 = arith.constant 0 : index
    %swap3A_193 = vector.load %arg9[%swap3A, %swap3A_192] : memref<32x10000xf32, #tpu.memory_space<vmem>>, vector<32x10000xf32>
    tpu.vector_store %arg9[%swap3A, %swap3A_192], %sub3A_191 {strides = array<i32>} : memref<32x10000xf32, #tpu.memory_space<vmem>>, vector<32x10000xf32>,
    %get3A_194 = arith.constant 0 : index
    %get3A_195 = arith.constant 0 : index
    %get3A_196 = vector.load %arg7[%get3A_194, %get3A_195] : memref<256x2000xf32, #tpu.memory_space<vmem>>, vector<256x2000xf32>
    %dot_general3A_197 = arith.constant dense<0.000000e+00> : vector<32x2000xf32>
    %dot_general3A_198 = tpu.matmul %select_n3A, %get3A_196, %dot_general3A_197 {dimension_numbers = #tpu.dot_dimension_numbers<[1], [0], [0], [1], [0, 0, 1, 1], [], []>, transpose_lhs_hint = false} : vector<32x256xf32>, vector<256x2000xf32>, vector<32x2000xf32> -> vector<32x2000xf32>
    %get3A_199 = arith.constant 0 : index
    %get3A_200 = arith.constant 0 : index
    %get3A_201 = vector.load %arg8[%get3A_199, %get3A_200] : memref<1x2000xf32, #tpu.memory_space<vmem>>, vector<1x2000xf32>
    %add3A_202 = vector.broadcast %get3A_201 : vector<1x2000xf32> to vector<32x2000xf32>
    %add3A_203 = arith.addf %dot_general3A_198, %add3A_202 : vector<32x2000xf32>
    %reduce_max3A_204 = arith.constant dense<0xFF800000> : vector<32xf32>
    %reduce_max3A_205 = vector.multi_reduction <maximumf>, %add3A_203, %reduce_max3A_204 [1] : vector<32x2000xf32> to vector<32xf32>
    %broadcast_in_dim3A_206 = vector.shape_cast %reduce_max3A_205 : vector<32xf32> to vector<32x1xf32>
    %sub3A_207 = vector.broadcast %broadcast_in_dim3A_206 : vector<32x1xf32> to vector<32x2000xf32>
    %sub3A_208 = arith.subf %add3A_203, %sub3A_207 : vector<32x2000xf32>
    %exp3A_209 = math.exp %sub3A_208 : vector<32x2000xf32>
    %sub3A_210 = vector.broadcast %broadcast_in_dim3A_206 : vector<32x1xf32> to vector<32x2000xf32>
    %sub3A_211 = arith.subf %add3A_203, %sub3A_210 : vector<32x2000xf32>
    %reduce_sum3A_212 = arith.constant dense<0.000000e+00> : vector<32xf32>
    %reduce_sum3A_213 = vector.multi_reduction <add>, %exp3A_209, %reduce_sum3A_212 [1] : vector<32x2000xf32> to vector<32xf32>
    %broadcast_in_dim3A_214 = vector.shape_cast %reduce_sum3A_213 : vector<32xf32> to vector<32x1xf32>
    %log3A_215 = math.log %broadcast_in_dim3A_214 : vector<32x1xf32>
    %sub3A_216 = vector.broadcast %log3A_215 : vector<32x1xf32> to vector<32x2000xf32>
    %sub3A_217 = arith.subf %sub3A_211, %sub3A_216 : vector<32x2000xf32>
    %swap3A_218 = arith.constant 0 : index
    %swap3A_219 = arith.constant 0 : index
    %swap3A_220 = vector.load %arg10[%swap3A_218, %swap3A_219] : memref<32x2000xf32, #tpu.memory_space<vmem>>, vector<32x2000xf32>
    tpu.vector_store %arg10[%swap3A_218, %swap3A_219], %sub3A_217 {strides = array<i32>} : memref<32x2000xf32, #tpu.memory_space<vmem>>, vector<32x2000xf32>,
    return
  }
}

</mosaic_0001>

<sc_bundles>
// kernel: kernel.4.cloned.1.call-start
scs
__scs_entry_jumppad:
0x0: {  	(pc) =	sbr.rel $0x88, $3  }
0x1: {  	(tag) =	ssettag $0x0;
	lr =	simm.s32 $0x1  }
0x2: {  	[smem:$0x3F98] =	sst lr;
	_ =	strace $0xD0000000  }
0x3: {  	_ = 	snop  }
0x4: {  	_ = 	snop  }
0x5: {  	_ = 	snop  }
0x6: {  	_ = 	snop  }
0x7: {  	_ = 	snop  }
__scs_overlays_trampoline_lowered:
0x8: {  	[smem:$0x3FA7] =	sst s0  }
0x9: {  	[smem:$0x3FA8] =	sst s1  }
0xa: {  	[smem:$0x3FA9] =	sst s2  }
0xb: {  	[smem:$0x3FAA] =	sst s3  }
0xc: {  	[smem:$0x3FAB] =	sst s4  }
0xd: {  	[smem:$0x3FAC] =	sst s5  }
0xe: {  	[smem:$0x3FAD] =	sst s6  }
0xf: {  	[smem:$0x3FAE] =	sst s7  }
0x10: {  	[smem:$0x3FAF] =	sst s8  }
0x11: {  	[smem:$0x3FB0] =	sst s9;
	s0 =	simm.s32 @!p0 $0x0  }
0x12: {  	s1 =	sld [smem:$0x3F96];
	s0 =	simm.s32 @p0 $0x1  }
0x13: {  	[smem:$0x3FB1] =	sst s0;
	s0 =	simm.s32 @!p1 $0x0  }
0x14: {  	s2 =	sld [smem:$0x3F95];
	s0 =	simm.s32 @p1 $0x1  }
0x15: {  	[smem:$0x3FB2] =	sst s0;
	s0 =	simm.s32 @!p2 $0x0  }
0x16: {  	s3 =	sld [smem:$0x3FDB];
	s0 =	simm.s32 @p2 $0x1  }
0x17: {  	s4 =	simm.s32 $0x1BF5;
	[smem:$0x3FB4] =	sst s0  }
0x18: {  	s0 =	sld [smem:$0x3F97];
	_ =	swait.ge [sflag:s4], $0x0  }
0x19: {  	s7 =	sld [smem:$0x3F98]  }
0x1a: {  	s8 =	sadd.s32 $0xFFFFE003, lr  }
0x1b: {  	s9 =	sadd.s32 $0xFFFFFEF7, lr;
	s5 =	simm.s32 $0xFFFFFFFF;
	p2 =	slt.u32 s8, $0xFFFFF086  }
0x1c: {  	p1 =	slt.u32 s9, $0xF7A;
	s5 =	simm.s32 @!p2 $0x0  }
0x1d: {  	s5 =	simm.s32 @p1 $0x1;
	p0 =	seq.s32 s7, s2  }
0x1e: {  	s7 =	smul.u32 @!p0 $0xF7A, s2;
	p2 =	seq.s32 @!p0 s5, $0x0  }
0x1f: {  	s9 =	smul.u32 $0xF7A, s1;
	s8 =	simm.s32 @!p0 $0x1BF5;
	p2 =	por !p2, p0  }
0x20: {  	[sflag:s8] =	ssyncset.s32 @!p0 $0xFFFFF086;
	s6 =	sadd.s32 @!p0 s3, s7;
	s7 =	simm.s32 @!p0 $0x108  }
0x21: {  	s3 =	sadd.s32 s3, s9;
	s6 =	sadd.s32 @!p0 $0x88, s6;
	s7 =	simm.s32 @p2 $0x1082  }
0x22: {  	[simem:s7], [sflag:s8] =	dma.local @!p0 [hbm:s6], $0xF7A  }
0x23: {  	s9 =	sor.u32 $0xD0000000, s2;
	s6 =	simm.s32 $0x108;
	_ =	swait.ge @!p0 [sflag:s8], $0x0  }
0x24: {  	s3 =	sadd.s32 $0x88, s3;
	s6 =	simm.s32 @!p1 $0x1082;
	[sflag:s4] =	ssyncset.s32 $0xFFFFF086  }
0x25: {  	[simem:s6], [sflag:s4] =	dma.local [hbm:s3], $0xF7A  }
0x26: {  	[smem:$0x3F98] =	sst s1;
	(tag) =	ssettag s2;
	_ =	strace s9  }
0x27: {  	s1 =	sld [smem:$0x3FA8]  }
0x28: {  	s2 =	sld [smem:$0x3FA9]  }
0x29: {  	s4 =	sld [smem:$0x3FAB]  }
0x2a: {  	p0 =	seq.s32 s5, $0x0;
	s5 =	sld [smem:$0x3FAC]  }
0x2b: {  	s6 =	sld [smem:$0x3FAD]  }
0x2c: {  	s7 =	sld [smem:$0x3FAE]  }
0x2d: {  	s3 =	simm.s32 $0x108;
	s8 =	sld [smem:$0x3FAF]  }
0x2e: {  	s3 =	simm.s32 @!p0 $0x1082;
	s9 =	sld [smem:$0x3FB0]  }
0x2f: {  	lr =	sadd.s32 s0, s3;
	s0 =	sld [smem:$0x3FA7]  }
0x30: {  	s3 =	sld [smem:$0x3FAA]  }
0x31: {  	[smem:$0x3FB3] =	sst s10  }
0x32: {  	s10 =	sld [smem:$0x3FB1];
	_ =	sdelay $0x3  }
0x33: {  	p0 =	seq.s32 s10, $0x1;
	s10 =	sld [smem:$0x3FB3];
	_ =	sdelay $0x3  }
0x34: {  	[smem:$0x3FB3] =	sst s10  }
0x35: {  	s10 =	sld [smem:$0x3FB2];
	_ =	sdelay $0x3  }
0x36: {  	p1 =	seq.s32 s10, $0x1;
	s10 =	sld [smem:$0x3FB3];
	_ =	sdelay $0x3  }
0x37: {  	[smem:$0x3FB3] =	sst s10  }
0x38: {  	s10 =	sld [smem:$0x3FB4]  }
0x39: {  	_ = 	snop;
	(pc) =	sbr.ind lr, $3  }
0x3a: {  	_ = 	snop  }
0x3b: {  	_ = 	snop  }
0x3c: {  	p2 =	seq.s32 s10, $0x1;
	s10 =	sld [smem:$0x3FB3]  }
0x3d: {  	_ =	shalt  }
0x3e: {  	_ =	shalt  }
0x3f: {  	_ =	shalt  }
0x40: {  	_ =	shalt  }
0x41: {  	_ =	shalt  }
0x42: {  	_ =	shalt  }
0x43: {  	_ =	shalt  }
0x44: {  	_ =	shalt  }
0x45: {  	_ =	shalt  }
0x46: {  	_ =	shalt  }
0x47: {  	_ =	shalt  }
0x48: {  	_ =	shalt  }
0x49: {  	_ =	shalt  }
0x4a: {  	_ =	shalt  }
0x4b: {  	_ =	shalt  }
0x4c: {  	_ =	shalt  }
0x4d: {  	_ =	shalt  }
0x4e: {  	_ =	shalt  }
0x4f: {  	_ =	shalt  }
0x50: {  	_ =	shalt  }
0x51: {  	_ =	shalt  }
0x52: {  	_ =	shalt  }
0x53: {  	_ =	shalt  }
0x54: {  	_ =	shalt  }
0x55: {  	_ =	shalt  }
0x56: {  	_ =	shalt  }
0x57: {  	_ =	shalt  }
0x58: {  	_ =	shalt  }
0x59: {  	_ =	shalt  }
0x5a: {  	_ =	shalt  }
0x5b: {  	_ =	shalt  }
0x5c: {  	_ =	shalt  }
0x5d: {  	_ =	shalt  }
0x5e: {  	_ =	shalt  }
0x5f: {  	_ =	shalt  }
0x60: {  	_ =	shalt  }
0x61: {  	_ =	shalt  }
0x62: {  	_ =	shalt  }
0x63: {  	_ =	shalt  }
0x64: {  	_ =	shalt  }
0x65: {  	_ =	shalt  }
0x66: {  	_ =	shalt  }
0x67: {  	_ =	shalt  }
0x68: {  	_ =	shalt  }
0x69: {  	_ =	shalt  }
0x6a: {  	_ =	shalt  }
0x6b: {  	_ =	shalt  }
0x6c: {  	_ =	shalt  }
0x6d: {  	_ =	shalt  }
0x6e: {  	_ =	shalt  }
0x6f: {  	_ =	shalt  }
0x70: {  	_ =	shalt  }
0x71: {  	_ =	shalt  }
0x72: {  	_ =	shalt  }
0x73: {  	_ =	shalt  }
0x74: {  	_ =	shalt  }
0x75: {  	_ =	shalt  }
0x76: {  	_ =	shalt  }
0x77: {  	_ =	shalt  }
0x78: {  	_ =	shalt  }
0x79: {  	_ =	shalt  }
0x7a: {  	_ =	shalt  }
0x7b: {  	_ =	shalt  }
0x7c: {  	_ =	shalt  }
0x7d: {  	_ =	shalt  }
0x7e: {  	_ =	shalt  }
0x7f: {  	_ =	shalt  }
0x80: {  	_ =	shalt  }
0x81: {  	_ =	shalt  }
0x82: {  	_ =	shalt  }
0x83: {  	_ =	shalt  }
0x84: {  	_ =	shalt  }
0x85: {  	_ =	shalt  }
0x86: {  	_ =	shalt  }
0x87: {  	_ =	shalt  }
.Lfunc_end0:
.L_simem_size_0:
called_computation_lowered:
.L_overlay_start_0:
0x88: {  	s2 =	sld [smem:$0x3FD9]  }
0x89: {  	s3 =	sld [smem:$0x3FFE];
	_ =	sdelay $0x1  }
0x8a: {  	s1 =	srdreg.scid  }
0x8b: {  	s0 =	sand.u32 $0x1, s1  }
0x8c: {  	s14 =	sshll.u32 s0, $0xA;
	s2 =	sadd.s32 s3, s2  }
0x8d: {  	s2 =	sadd.s32 s2, s14  }
0x8e: {  	[smem:$0x3FBF] =	sst s2  }
0x8f: {  	_ = 	snop  }
0x90: {  	s2 =	sld [smem:$0x3FD0]  }
0x91: {  	s15 =	sld [smem:$0x3FC9]  }
0x92: {  	s4 =	sld [smem:$0x3FC8]  }
0x93: {  	s6 =	simm.s32 $0xA;
	s7 =	simm.s32 $0x10;
	s5 =	sld [smem:$0x3FC7]  }
0x94: {  	[smem:s7], [sflag:s6] =	dma.local [hbm:s2], $0x1  }
0x95: {  	_ =	swait.eq [sflag:s6], $0x1  }
0x96: {  	[sflag:s6] =	ssyncset.done $0x0  }
0x97: {  	s16 =	sld [smem:$0x10];
	[sflag:s6] =	ssyncadd.s32 $0xFFFFFFFF  }
0x98: {  	s17 =	sld [smem:$0x11];
	(tm) =	ssettm $0x1  }
0x99: {  	s18 =	sld [smem:$0x3FFB];
	_ =	sdelay $0x3  }
0x9a: {  	_ =	strace s18  }
0x9b: {  	s7 =	sld [smem:$0x3FFC];
	_ =	sdelay $0x3  }
0x9c: {  	_ =	strace s7  }
0x9d: {  	s7 =	sld [smem:$0x3FFD];
	_ =	sdelay $0x3  }
0x9e: {  	_ =	strace s7  }
0x9f: {  	_ =	strace $0x8FFFFFFF  }
0xa0: {  	s19 =	sld [smem:$0x3FDB];
	_ =	sdelay $0x1  }
0xa1: {  	s8 =	simm.s32 $_scs_section_size  }
0xa2: {  	s9 =	simm.s32 $_size__tile_overlayer_lowered;
	s10 =	simm.s32 $_tile_overlayer_lowered  }
0xa3: {  	s22 =	simm.s32 $0x1BFF;
	s21 =	sshll.u32 s10, $0x1;
	s7 =	sadd.s32 s8, s19  }
0xa4: {  	s11 =	simm.s32 $0x0;
	s20 =	sshll.u32 s9, $0x1;
	s9 =	sadd.s32 s21, s7  }
0xa5: {  	[timem:s11], [sflag:s22] =	dma.local [hbm:s9], s20  }
0xa6: {  	_ =	swait.ge [sflag:s22], s20  }
0xa7: {  	s8 =	ssub.s32 $0x0, s20;
	[sflag:s22] =	ssyncset.done $0x0  }
0xa8: {  	[sflag:s22] =	ssyncadd.s32 s8;
	_ =	sdelay $0x1  }
0xa9: {  	s23 =	simm.s32 $0x1B8B  }
0xaa: {  	_ =	swait.ge [sflag:s23], $0x1  }
0xab: {  	[sflag:s23] =	ssyncset.done $0x0  }
0xac: {  	s25 =	simm.s32 $0x1B8E;
	s24 =	sld [smem:$0x3FFE];
	[sflag:s23] =	ssyncadd.s32 $0xFFFFFFFF  }
0xad: {  	s26 =	simm.s32 $execute0_lowered;
	[smem:$0x3FD2] =	sst s25  }
0xae: {  	s9 =	sshll.u32 s26, $0x1;
	_ =	strace $0x80000046;
	[dreg:$0x1] =	wrdreg $0xFFFFFFFF  }
0xaf: {  	s28 =	simm.s32 $_size_execute0_lowered;
	s7 =	sadd.s32 s7, s9;
	[dreg:$0x0] =	wrdreg $0x0  }
0xb0: {  	s9 =	sshll.u32 s28, $0x1;
	[dreg:$0x2] =	wrdreg s7  }
0xb1: {  	[dreg:$0x3] =	wrdreg s9  }
0xb2: {  	[dreg:$0x4] =	wrdreg $0xC0  }
0xb3: {  	_ =	task [dreg:s11], $0x5FFFF  }
0xb4: {  	[dreg:$0x1] =	wrdreg $0xFFFFFFFF  }
0xb5: {  	[dreg:$0x0] =	wrdreg $0x60  }
0xb6: {  	[dreg:$0x2] =	wrdreg s15  }
0xb7: {  	[dreg:$0x3] =	wrdreg s4  }
0xb8: {  	[dreg:$0x4] =	wrdreg s5  }
0xb9: {  	[dreg:$0x5] =	wrdreg s17  }
0xba: {  	[dreg:$0x6] =	wrdreg s24  }
0xbb: {  	[dreg:$0x7] =	wrdreg s16  }
0xbc: {  	[dreg:$0x8] =	wrdreg $0x9  }
0xbd: {  	_ =	task.clear_ibuf [dreg:s11], $0x9FFFF;
	_ =	strace $0x90000046  }
0xbe: {  	s29 =	simm.s32 $0x9;
	_ =	strace $0x80000048  }
0xbf: {  	_ =	swait.ge [sflag:s29], $0x1  }
0xc0: {  	[sflag:s29] =	ssyncadd.s32 $0xFFFFFFFF  }
0xc1: {  	_ =	strace $0x90000048  }
0xc2: {  	_ =	sfence  }
0xc3: {  	s30 =	sld [smem:$0x0];
	_ =	sdelay $0x2  }
0xc4: {  	s31 =	sshll.u32 s1, $0xD;
	s1 =	sshrl.u32 s1, $0x2  }
0xc5: {  	s3 =	sand.u32 $0x4000, s31;
	s1 =	sadd.s32 s1, s30  }
0xc6: {  	s0 =	sor.u32 s3, s0;
	s1 =	sshll.u32 s1, $0x11  }
0xc7: {  	s0 =	sor.u32 s1, s0  }
0xc8: {  	s0 =	sadd.s32 $0x8F2B, s0  }
0xc9: {  	[sflag:s0] =	ssyncadd.remote.s32 $0x1  }
0xca: {  	_ =	sfence.sel $0xFFFF  }
0xcb: {  	[dreg:$0x0] =	wrdreg $0xFFFFFFFF;
	(pc) =	sbr.abs _section_cstart, $3  }
0xcc: {  	[dreg:$0x1] =	wrdreg $0xFFFFFFFF  }
0xcd: {  	_ =	task.clear_ibuf [dreg:s11], $0x2FFFF;
	_ =	strace $0x9FFFFFFF  }
0xce: {  	(tm) =	ssettm $0x7FFFFFFF  }
0xcf: {  	_ =	shalt  }
tec
execute0_lowered:
.L_overlay_start_1:
0x0: {  	(tag) =	ssettag $0x1  }
0x1: {  	s1 =	rddreg [dreg:$0x0]  }
0x2: {  	s2 =	rddreg [dreg:$0x1]  }
0x3: {  	s6 =	rddreg [dreg:$0x2]  }
0x4: {  	s0 =	rddreg [dreg:$0x3]  }
0x5: {  	s3 =	srdreg.scid;
	s5 =	rddreg [dreg:$0x4]  }
0x6: {  	s9 =	stileid.u32;
	s8 =	rddreg [dreg:$0x5];
	s14 =	simm.s32 $0x2  }
0x7: {  	v1 =	vimm.f32 $0.0e+00;
	v2 =	vimm.f32 $1.000000000e+00;
	s16 =	simm.s32 $0x400;
	s18 =	simm.s32 $0xC880;
	s19 =	simm.s32 $0x6000  }
0x8: {  	v4 =	vimm.s32 $0xB80;
	vm8 =	vcmask $0x300;
	v3 =	vimm.s32 $0x0;
	s20 =	simm.s32 $0x7000;
	s21 =	simm.s32 $0x9000;
	s22 =	simm.s32 $0x1  }
0x9: {  	vm6 =	vcmask $0x704;
	vm1 =	vcmask $0xB08;
	s28 =	simm.s32 $0x0;
	s4 =	sand.u32 $0x1, s3;
	s23 =	sshll.u32 s9, $0x1;
	v5 =	vsel vm8, $0x0, v4  }
0xa: {  	vm0 =	vmmov $0xffff;
	vm2 =	vcmask $0xF0C;
	s30 =	simm.s32 $0x0;
	s9 =	sshrl.u32 s9, $0x2;
	s7 =	sor.u32 s4, s23;
	v5 =	vsel vm6, $0x80, v5  }
0xb: {  	vm3 =	vcmask $0x1310;
	vm4 =	vcmask $0x1714;
	s11 =	sshll.u32 s9, $0xA;
	s4 =	ssub.s32 $0x2, s4;
	s24 =	sshll.u32 s9, $0x10;
	v6 =	vsel vm1, $0x100, v5  }
0xc: {  	vm5 =	vcmask $0x1B18;
	v4 =	vlaneseq.u32;
	s29 =	sshll.u32 s9, $0xB;
	s9 =	sshll.u32 s9, $0xE;
	s23 =	simm.s32 $0xB800;
	v6 =	vsel vm2, $0x180, v6  }
0xd: {  	vm7 =	vcmask $0x1F1C;
	v7 =	vshrl.u32 v4, $0x3;
	s3 =	sshll.u32 s7, $0x9;
	s10 =	sshll.u32 s7, $0x7;
	s12 =	sshrl.u32 s4, $0x1;
	v8 =	vsel vm3, $0x200, v6  }
0xe: {  	s13 =	sshll.u32 s7, $0xB;
	s7 =	sshll.u32 s7, $0xE;
	v0 =	vmov s3;
	s3 =	simm.s32 $0x0;
	v6 =	vmul.u32 $0x8, v7;
	v7 =	vsel vm4, $0x280, v8  }
0xf: {  	vm9 =	vcmask $0x2320;
	s10 =	sand.u32 $0x380, s10;
	s12 =	ssub.s32 s4, s12;
	s4 =	sadd.s32 s2, s13;
	v8 =	vimm.s32 $0xFFF;
	v7 =	vsel vm5, $0x300, v7  }
0x10: {  	vm14 =	vcmask $0x2724;
	s7 =	sadd.s32 s1, s7;
	s13 =	simm.s32 $0x100;
	[smem:$0x7FF] =	sst s3;
	v8 =	vsel vm8, $0x0, v8;
	v7 =	vsel vm7, $0x380, v7  }
0x11: {  	vm15 =	vcmask $0x2B28;
	s11 =	sor.u32 s11, s10;
	s26 =	sadd.s32 $0x10, s4;
	s2 =	sor.u32 s29, s10;
	v8 =	vsel vm6, $0x200, v8;
	v7 =	vsel vm9, $0x800, v7  }
0x12: {  	v5 =	vand.u32 $0x7, v4;
	_ =	strace $0x80000047;
	s11 =	sshrl.u32 s11, $0x3;
	[dreg:$0x7] =	wrdreg s26;
	v8 =	vsel vm1, $0x400, v8;
	v7 =	vsel vm14, $0x880, v7  }
.Ltmp0:
0x13: {  	s2 =	sshrl.u32 s2, $0x3;
	s11 =	sadd.s32 s11, s5;
	vm1 =	vcmask $0x2F2C;
	v8 =	vsel vm2, $0x600, v8;
	v7 =	vsel vm15, $0x900, v7;
	(pc) =	sbr.rel .LBB2_1-.Ltmp0, $4  }
0x14: {  	s5 =	sor.u32 s24, s10;
	s10 =	sor.u32 s9, s10;
	s8 =	sadd.s32 s8, s2;
	v8 =	vsel vm3, $0x800, v8;
	v7 =	vsel vm1, $0x980, v7;
	vm1 =	vcmask $0x3330  }
0x15: {  	s24 =	simm.s32 $0xC000;
	s25 =	sshrl.u32 s5, $0x3;
	s9 =	sadd.s32 $0x2200, s11;
	v8 =	vsel vm4, $0xA00, v8;
	v7 =	vsel vm1, $0xA00, v7;
	vm1 =	vcmask $0x3734  }
0x16: {  	s31 =	sshrl.u32 s10, $0x3;
	s11 =	smax.u32 s12, $0x1;
	s12 =	simm.s32 $0x80;
	v10 =	vsel vm5, $0xC00, v8;
	v9 =	vsel vm1, $0xA80, v7;
	vm1 =	vcmask $0x3B38  }
0x17: {  	s6 =	sadd.s32 s6, s25;
	s10 =	sadd.s32 s0, s31;
	s25 =	simm.s32 $0xB000;
	v7 =	vor.u32 $0x8, v4;
	v8 =	vsel vm1, $0xB00, v9;
	v9 =	vsel vm7, $0xE00, v10  }
.LBB2_14:
0x18: {  	_ =	sdelay $0x3  }
0x19: {  	v10 =	vld.idx.msk [tilespmem:v9+s19+$0x0], $0xffff;
	_ =	sdelay $0x4  }
0x1a: {  	s3 =	simm.s32 $0x0;
	s0 =	simm.s32 $0xC800;
	[tilespmem:$0xC800] =	vst v10  }
0x1b: {  	[hbm4b:s9+s3] =	stream.linear.scatter [tilespmem:s0], [sflag:$0x2], $0x80, $0x38;
	[tilespmem:$0xC980] =	vst v63  }
0x1c: {  	s28 =	sadd.s32 $0x1, s28;
	_ =	swait.ge [sflag:s14], $0x80  }
0x1d: {  	p0 =	sne.s32 s28, s11;
	[sflag:s14] =	ssyncset.done $0x0  }
.Ltmp1:
0x1e: {  	[sflag:s14] =	ssyncadd.s32 $0xFFFFFF80;
	(pc) =	sbr.rel @!p0 .LBB2_15-.Ltmp1, $4  }
0x1f: {  	[hbm4b:s10+s12] =	stream.strided.scatter [tilespmem:s25], [sflag:$0x2], $0x800, s16, s12, $0x38;
	[tilespmem:$0xC980] =	vst v63  }
0x20: {  	_ =	swait.ge [sflag:s14], $0x800  }
0x21: {  	[sflag:s14] =	ssyncset.done $0x0  }
0x22: {  	[sflag:s14] =	ssyncadd.s32 $0xFFFFF800  }
.LBB2_1:
0x23: {  	[tilespmem:s3], [sflag:$0x2] =	stream.strided.gather [hbm4b:s4+s12], $0x2000, s13, s12, $0x38;
	[tilespmem:$0xC980] =	vst v63  }
0x24: {  	_ =	swait.ge [sflag:s14], $0x2000  }
0x25: {  	[sflag:s14] =	ssyncset.done $0x0  }
0x26: {  	s2 =	simm.s32 $0x2000;
	s0 =	rddreg [dreg:$0x7];
	[sflag:s14] =	ssyncadd.s32 $0xFFFFE000  }
0x27: {  	[tilespmem:s2], [sflag:$0x2] =	stream.strided.gather [hbm4b:s0+s12], $0x2000, s13, s12, $0x38;
	[tilespmem:$0xC980] =	vst v63  }
0x28: {  	_ =	swait.ge [sflag:s14], $0x2000  }
0x29: {  	[sflag:s14] =	ssyncset.done $0x0  }
0x2a: {  	s31 =	simm.s32 $0x4000;
	[sflag:s14] =	ssyncadd.s32 $0xFFFFE000  }
0x2b: {  	[tilespmem:s31], [sflag:$0x2] =	stream.strided.gather [hbm4b:s6+s12], $0x2000, s16, s12, $0x38;
	[tilespmem:$0xC980] =	vst v63  }
0x2c: {  	_ =	swait.ge [sflag:s14], $0x2000  }
0x2d: {  	[sflag:s14] =	ssyncset.done $0x0  }
0x2e: {  	[sflag:s14] =	ssyncadd.s32 $0xFFFFE000  }
0x2f: {  	[tilespmem:s18], [sflag:$0x2] =	stream.strided.gather [hbm4b:s7+s12], $0x100, s16, s12, $0x38;
	[tilespmem:$0xC980] =	vst v63  }
0x30: {  	_ =	swait.ge [sflag:s14], $0x100  }
0x31: {  	[sflag:s14] =	ssyncset.done $0x0  }
0x32: {  	[sflag:s14] =	ssyncadd.s32 $0xFFFFFF00  }
0x33: {  	[hbm4b:s8+s12] =	stream.strided.scatter [tilespmem:s18], [sflag:$0x2], $0x100, s16, s12, $0x38;
	[tilespmem:$0xC980] =	vst v63  }
0x34: {  	_ =	swait.ge [sflag:s14], $0x100  }
0x35: {  	[sflag:s14] =	ssyncset.done $0x0  }
0x36: {  	s0 =	simm.s32 $0x6020;
	[sflag:s14] =	ssyncadd.s32 $0xFFFFFF00  }
0x37: {  	[tilespmem:s0+$0xFFFFFFE0] =	vst v1  }
0x38: {  	[tilespmem:s0+$0x10] =	vst v1  }
0x39: {  	s15 =	simm.s32 $0x0;
	[tilespmem:s0+$0x0] =	vst v1  }
.LBB2_2:
0x3a: {  	s15 =	sadd.s32 $0x4, s15  }
0x3b: {  	[tilespmem:s0+$0xFFFFFFF0] =	vst v1;
	s0 =	sadd.s32 $0x40, s0;
	s2 =	simm.s32 $0xB020;
	p0 =	slt.u32 s15, $0xFC  }
.Ltmp2:
0x3c: {  	[tilespmem:s0+$0xFFFFFFE0] =	vst v1;
	(pc) =	sbr.rel @p0 .LBB2_2-.Ltmp2, $3  }
0x3d: {  	_ =	sdelay $0x1  }
0x3e: {  	[tilespmem:s0+$0x10] =	vst v1  }
0x3f: {  	[tilespmem:s0+$0x0] =	vst v1  }
0x40: {  	[tilespmem:s0+$0xFFFFFFF0] =	vst v1  }
0x41: {  	[tilespmem:s2+$0xFFFFFFE0] =	vst v1  }
0x42: {  	[tilespmem:s2+$0x10] =	vst v1  }
0x43: {  	s17 =	simm.s32 $0x0;
	s15 =	simm.s32 $0x4020;
	s0 =	simm.s32 $0x2020;
	[tilespmem:s2+$0x0] =	vst v1  }
.LBB2_4:
0x44: {  	s17 =	sadd.s32 $0x4, s17  }
0x45: {  	[tilespmem:s2+$0xFFFFFFF0] =	vst v1;
	s2 =	sadd.s32 $0x40, s2;
	p0 =	slt.u32 s17, $0x7C  }
.Ltmp3:
0x46: {  	[tilespmem:s2+$0xFFFFFFE0] =	vst v1;
	(pc) =	sbr.rel @p0 .LBB2_4-.Ltmp3, $3  }
0x47: {  	_ =	sdelay $0x1  }
0x48: {  	[tilespmem:s2+$0x10] =	vst v1  }
0x49: {  	[tilespmem:s2+$0x0] =	vst v1  }
0x4a: {  	[tilespmem:s2+$0xFFFFFFF0] =	vst v1  }
0x4b: {  	v10 =	vld [tilespmem:s15+$0xFFFFFFE0]  }
0x4c: {  	v13 =	vld [tilespmem:s15+$0xFFFFFFF0]  }
0x4d: {  	v14 =	vld [tilespmem:s15+$0x0]  }
0x4e: {  	v15 =	vld [tilespmem:s15+$0x10]  }
0x4f: {  	v18 =	vld [tilespmem:s0+$0xFFFFFFE0]  }
0x50: {  	v16 =	vld [tilespmem:s0+$0xFFFFFFF0]  }
0x51: {  	v12 =	vld [tilespmem:s0+$0x0]  }
0x52: {  	v19 =	vshll.u32 v10, $0x9;
	v10 =	vld [tilespmem:s0+$0x10]  }
0x53: {  	v11 =	vimm.s32 $0x0;
	v17 =	vshll.u32 v13, $0x9;
	v14 =	vshll.u32 v14, $0x9  }
0x54: {  	s2 =	simm.s32 $0x0;
	s15 =	simm.s32 $0x4060;
	vm1 =	veq.s32 v18, $0x0;
	v15 =	vshll.u32 v15, $0x9;
	v13 =	vadd.s32 v18, v19  }
.LBB2_6:
0x55: {  	v18 =	vld [tilespmem:s15+$0xFFFFFFE0];
	v19 =	vsel vm1, $0x1, v3;
	v17 =	vadd.s32 v16, v17;
	vm1 =	veq.s32 v16, $0x0  }
0x56: {  	v20 =	vld [tilespmem:s15+$0xFFFFFFF0];
	v11 =	vadd.s32 v19, v11;
	v16 =	vsel vm1, $0x1, v3;
	vm1 =	veq.s32 v12, $0x0  }
0x57: {  	v19 =	vld [tilespmem:s15+$0x0];
	v11 =	vadd.s32 v16, v11;
	v16 =	vsel vm1, $0x1, v3;
	vm1 =	veq.s32 v10, $0x0  }
0x58: {  	v22 =	vadd.s32 v12, v14;
	v21 =	vld [tilespmem:s15+$0x10];
	v11 =	vadd.s32 v16, v11;
	v12 =	vsel vm1, $0x1, v3  }
0x59: {  	v23 =	vadd.s32 v10, v15;
	[tilespmem:v13+s19+$0x0] =	vst.idx.add.f32.msk $0xffff, v2;
	v11 =	vadd.s32 v12, v11  }
0x5a: {  	s2 =	sadd.s32 $0x40, s2;
	s0 =	sadd.s32 $0x40, s0;
	[tilespmem:v17+s19+$0x0] =	vst.idx.add.f32.msk $0xffff, v2  }
0x5b: {  	p0 =	slt.u32 s2, $0x1FC0;
	v15 =	vld [tilespmem:s0+$0xFFFFFFE0]  }
.Ltmp4:
0x5c: {  	v16 =	vld [tilespmem:s0+$0xFFFFFFF0];
	(pc) =	sbr.rel @p0 .LBB2_6-.Ltmp4, $4  }
0x5d: {  	v12 =	vld [tilespmem:s0+$0x0]  }
0x5e: {  	v10 =	vld [tilespmem:s0+$0x10]  }
0x5f: {  	v13 =	vshll.u32 v18, $0x9;
	v17 =	vshll.u32 v20, $0x9;
	v14 =	vshll.u32 v19, $0x9;
	[tilespmem:v22+s19+$0x0] =	vst.idx.add.f32.msk $0xffff, v2  }
0x60: {  	s15 =	sadd.s32 $0x40, s15;
	v13 =	vadd.s32 v15, v13;
	vm1 =	veq.s32 v15, $0x0;
	v15 =	vshll.u32 v21, $0x9;
	[tilespmem:v23+s19+$0x0] =	vst.idx.add.f32.msk $0xffff, v2  }
0x61: {  	v17 =	vadd.s32 v16, v17  }
0x62: {  	v18 =	vsel vm1, $0x1, v3;
	vm1 =	veq.s32 v16, $0x0;
	v14 =	vadd.s32 v12, v14  }
0x63: {  	v16 =	vsel vm1, $0x1, v3;
	vm1 =	veq.s32 v12, $0x0;
	v12 =	vadd.s32 v10, v15  }
0x64: {  	v11 =	vadd.s32 v18, v11  }
0x65: {  	[tilespmem:v13+s19+$0x0] =	vst.idx.add.f32.msk $0xffff, v2;
	v11 =	vadd.s32 v16, v11;
	v15 =	vsel vm1, $0x1, v3;
	vm1 =	veq.s32 v10, $0x0  }
0x66: {  	v10 =	vadd.s32 v15, v11;
	v11 =	vsel vm1, $0x1, v3;
	[tilespmem:v17+s19+$0x0] =	vst.idx.add.f32.msk $0xffff, v2  }
0x67: {  	v10 =	vadd.s32 v11, v10;
	[tilespmem:v14+s19+$0x0] =	vst.idx.add.f32.msk $0xffff, v2  }
0x68: {  	s15 =	simm.s32 $0x2020;
	(xrf0) =	vadd.scan.msk.s32 $0xffff, v10;
	[tilespmem:v12+s19+$0x0] =	vst.idx.add.f32.msk $0xffff, v2  }
0x69: {  	v11 =	vld [tilespmem:s15+$0xFFFFFFE0]  }
0x6a: {  	v12 =	vld [tilespmem:s15+$0xFFFFFFF0]  }
0x6b: {  	v19 =	vld [tilespmem:s15+$0x0];
	_ =	sdelay $0x1  }
0x6c: {  	s2 =	simm.s32 $0x20;
	v17 =	vld [tilespmem:s15+$0x10]  }
0x6d: {  	s0 =	simm.s32 $0x4020;
	v15 =	vld [tilespmem:s2+$0xFFFFFFE0];
	v14, _, _ =	vpop (xrf0)  }
0x6e: {  	v13 =	vld [tilespmem:s0+$0xFFFFFFE0];
	v10 =	vsub.s32 v14, v10;
	vm4 =	veq.s32 v11, $0x0  }
0x6f: {  	v16 =	vld [tilespmem:s2+$0xFFFFFFF0];
	vm2 =	veq.s32 v12, $0x0;
	vm3 =	veq.s32 v19, $0x0;
	v11 =	vsel vm4, $0x1, v3  }
0x70: {  	s17 =	simm.s32 $0x0;
	v12 =	vld [tilespmem:s0+$0xFFFFFFF0];
	vm1 =	vmmov vm4;
	v18 =	vsel vm2, $0x1, v3;
	v11 =	vadd.s32 v11, v10  }
.LBB2_8:
0x71: {  	s17 =	sadd.s32 $0x40, s17;
	v18 =	vadd.s32 v18, v11;
	v19 =	vld [tilespmem:s2+$0x0];
	v20 =	vsel vm3, $0x1, v3;
	vm5 =	veq.s32 v17, $0x0  }
0x72: {  	p0 =	slt.u32 s17, $0x1FC0;
	v20 =	vadd.s32 v20, v18;
	v17 =	vld [tilespmem:s2+$0x10];
	v21 =	vsel vm5, $0x1, v3  }
0x73: {  	v22 =	vld [tilespmem:s0+$0x10];
	v21 =	vadd.s32 v21, v20;
	v23 =	vmov v13  }
0x74: {  	s15 =	sadd.s32 $0x40, s15;
	[tilespmem:v10+s20+$0x0] =	vst.idx.msk vm4, v15;
	v13 =	vld [tilespmem:s0+$0x0]  }
0x75: {  	v24 =	vld [tilespmem:s15+$0xFFFFFFE0];
	[tilespmem:v11+s20+$0x0] =	vst.idx.msk vm2, v16  }
0x76: {  	v25 =	vld [tilespmem:s15+$0xFFFFFFF0];
	[tilespmem:v18+s20+$0x0] =	vst.idx.msk vm3, v19  }
0x77: {  	v19 =	vld [tilespmem:s15+$0x0];
	[tilespmem:v20+s20+$0x0] =	vst.idx.msk vm5, v17  }
.Ltmp5:
0x78: {  	s2 =	sadd.s32 $0x40, s2;
	v17 =	vld [tilespmem:s15+$0x10];
	[tilespmem:v20+s21+$0x0] =	vst.idx.msk vm5, v22;
	(pc) =	sbr.rel @p0 .LBB2_8-.Ltmp5, $4  }
0x79: {  	s0 =	sadd.s32 $0x40, s0;
	v15 =	vld [tilespmem:s2+$0xFFFFFFE0];
	[tilespmem:v18+s21+$0x0] =	vst.idx.msk vm3, v13  }
0x7a: {  	v13 =	vld [tilespmem:s0+$0xFFFFFFE0];
	vm4 =	veq.s32 v24, $0x0;
	[tilespmem:v11+s21+$0x0] =	vst.idx.msk vm2, v12  }
0x7b: {  	v11 =	vsel vm4, $0x1, v3;
	v16 =	vld [tilespmem:s2+$0xFFFFFFF0];
	vm2 =	veq.s32 v25, $0x0;
	[tilespmem:v10+s21+$0x0] =	vst.idx.msk vm1, v23;
	v10 =	vmovc v21;
	vm1 =	vmmov vm4  }
0x7c: {  	v11 =	vadd.s32 v11, v21;
	v12 =	vld [tilespmem:s0+$0xFFFFFFF0];
	v18 =	vsel vm2, $0x1, v3;
	vm3 =	veq.s32 v19, $0x0  }
0x7d: {  	v14 =	vxor.u32 $0x80000000, v14  }
0x7e: {  	(xrf0) =	vmax.scan.msk.u32 $0xffff, v14;
	_ =	sdelay $0x5  }
0x7f: {  	v14, _, _ =	vpop (xrf0)  }
0x80: {  	(v2sf) =	vpush v14, $0xF;
	_ =	sdelay $0xd  }
0x81: {  	v60 =	vld [tilespmem:s2+$0x0]  }
0x82: {  	v62 =	vld [tilespmem:s2+$0x10];
	s2 =	spop (v2sf)  }
0x83: {  	s15 =	sadd.s32 $0x8000000F, s2  }
0x84: {  	s26 =	sand.u32 $0xF, s15  }
0x85: {  	v20 =	vld [tilespmem:s0+$0x10];
	s31 =	sshra.s32 s15, $0x1F;
	p1 =	slt.s32 s15, $0x1;
	p0 =	sne.s32 s26, $0x0  }
0x86: {  	v63 =	vld [tilespmem:s0+$0x0];
	s0 =	sshrl.u32 s31, $0x1C;
	p0 =	por !p1, !p0  }
0x87: {  	v59 =	vadd.s32 v18, v11;
	v19 =	vsel vm3, $0x1, v3;
	vm5 =	veq.s32 v17, $0x0;
	s0 =	sadd.s32 s0, s15;
	s15 =	simm.s32 $0x1;
	p0 =	por !p0, !p0  }
0x88: {  	v61 =	vadd.s32 v19, v59;
	[tilespmem:v10+s20+$0x0] =	vst.idx.msk vm4, v15;
	s0 =	sshra.s32 s0, $0x4;
	s15 =	simm.s32 @!p0 $0x0  }
0x89: {  	[tilespmem:v10+s21+$0x0] =	vst.idx.msk vm1, v13;
	s29 =	ssub.s32 s0, s15  }
0x8a: {  	[tilespmem:v11+s20+$0x0] =	vst.idx.msk vm2, v16;
	p0 =	slt.s32 s29, $0x1  }
.Ltmp6:
0x8b: {  	[tilespmem:v11+s21+$0x0] =	vst.idx.msk vm2, v12;
	(pc) =	sbr.rel @p0 .LBB2_14-.Ltmp6, $4  }
0x8c: {  	[tilespmem:v59+s20+$0x0] =	vst.idx.msk vm3, v60  }
0x8d: {  	[tilespmem:v61+s20+$0x0] =	vst.idx.msk vm5, v62  }
0x8e: {  	[tilespmem:v59+s21+$0x0] =	vst.idx.msk vm3, v63  }
0x8f: {  	[tilespmem:v61+s21+$0x0] =	vst.idx.msk vm5, v20  }
0x90: {  	s0 =	sxor.u32 $0x80000000, s2  }
0x91: {  	s31 =	simm.s32 $0x0;
	v10 =	vmov s0  }
.LBB2_11:
0x92: {  	s0 =	sshll.u32 s31, $0x4  }
0x93: {  	v11 =	vld [tilespmem:s0+$0x9000]  }
0x94: {  	v12 =	vld [tilespmem:s0+$0x7000];
	_ =	sdelay $0x1  }
0x95: {  	v13 =	vor.u32 s0, v4  }
0x96: {  	vm1 =	vlt.s32 v13, v10  }
0x97: {  	v13 =	vnsel vm1, $0x0, v11  }
0x98: {  	v11 =	vnsel vm1, $0x0, v12;
	v14 =	vshll.u32 v13, $0x9  }
0x99: {  	v11 =	vadd.s32 v11, v14;
	_ =	sdelay $0x4  }
0x9a: {  	v11 =	vld.idx.msk [tilespmem:v11+s19+$0x0], $0xffff;
	_ =	sdelay $0x4  }
0x9b: {  	v11 =	vadd.f32 $1.000000000e+00, v11;
	_ =	sdelay $0x1  }
0x9c: {  	v14 =	vshra.s32 v11, $0x1;
	v11 =	vmul.f32 $5.000000000e-01, v11  }
0x9d: {  	v14 =	vsub.s32 $0x5F3759DF, v14  }
0x9e: {  	v15 =	vmul.f32 v14, v11;
	_ =	sdelay $0x1  }
0x9f: {  	v15 =	vmul.f32 v14, v15;
	_ =	sdelay $0x1  }
0xa0: {  	v15 =	vsub.f32 $1.500000000e+00, v15;
	_ =	sdelay $0x1  }
0xa1: {  	v14 =	vmul.f32 v14, v15;
	_ =	sdelay $0x1  }
0xa2: {  	v15 =	vmul.f32 v14, v11;
	_ =	sdelay $0x1  }
0xa3: {  	v15 =	vmul.f32 v15, v14;
	_ =	sdelay $0x1  }
0xa4: {  	v15 =	vsub.f32 $1.500000000e+00, v15;
	_ =	sdelay $0x1  }
0xa5: {  	v14 =	vmul.f32 v15, v14;
	_ =	sdelay $0x1  }
0xa6: {  	v11 =	vmul.f32 v14, v11  }
0xa7: {  	v12 =	vadd.s32 v0, v12  }
0xa8: {  	v12 =	vnsel vm1, $0x0, v12;
	v11 =	vmul.f32 v11, v14  }
0xa9: {  	v15 =	vshll.u32 v12, $0x1  }
0xaa: {  	v12 =	vand.u32 $0x7, v12;
	v15 =	vand.u32 $0xFFFFFFF0, v15;
	v11 =	vsub.f32 $1.500000000e+00, v11  }
0xab: {  	v12 =	vor.u32 v12, v15  }
0xac: {  	s17 =	simm.s32 $0x2;
	v11 =	vmul.f32 v11, v14;
	v14 =	vperm.xlane v12, v5  }
0xad: {  	s2 =	simm.s32 $0x3;
	v16 =	vmov s17;
	v12 =	vperm.xlane v12, v7  }
0xae: {  	s26 =	simm.s32 $0x1;
	v17 =	vmov s2;
	v19 =	vand.u32 $0x7E, v16;
	v14 =	vadd.s32 v6, v14  }
0xaf: {  	v15 =	vadd.s32 v6, v12;
	v12 =	vshll.u32 v13, $0x8;
	v13 =	vmov s26  }
0xb0: {  	s0 =	simm.s32 $0x7;
	v16 =	vshll.u32 v16, $0x3;
	v20 =	vshll.u32 v17, $0x3;
	v18 =	vshll.u32 v13, $0x3  }
0xb1: {  	v21 =	vmov s0;
	v13 =	vand.u32 $0x7D, v13;
	v18 =	vand.u32 $0x400, v18  }
0xb2: {  	v16 =	vand.u32 $0x400, v16;
	v24 =	vshll.u32 v21, $0x3;
	v13 =	vor.u32 v18, v13  }
0xb3: {  	v18 =	vmov s30;
	[tilespmem:s23], [sflag:$0x1] =	stream.indirect_vreg.gather [hbm4b:s1+s30], $0x80, v14, vm0, $0xb8;
	v14 =	vand.u32 $0x7F, v17;
	v17 =	vand.u32 $0x400, v20;
	[tilespmem:$0xC980] =	vst v63  }
0xb4: {  	v20 =	vshll.u32 v18, $0x3;
	v18 =	vand.u32 $0x7C, v18;
	v14 =	vor.u32 v17, v14  }
0xb5: {  	v20 =	vand.u32 $0x400, v20;
	[tilespmem:s24], [sflag:$0x1] =	stream.indirect_vreg.gather [hbm4b:s1+s30], $0x80, v15, vm0, $0xb8;
	v15 =	vor.u32 v16, v19;
	v17 =	vor.u32 v8, v14;
	[tilespmem:$0xC980] =	vst v63  }
0xb6: {  	s3 =	simm.s32 $0x5;
	v11 =	vnsel vm1, $0x0, v11;
	v16 =	vor.u32 v20, v18;
	v15 =	vor.u32 v8, v15  }
0xb7: {  	v18 =	vor.u32 v8, v13;
	v13 =	vor.u32 s26, v12;
	v19 =	vmov s3;
	_ =	swait.ge [sflag:s22], $0x1000  }
0xb8: {  	s15 =	simm.s32 $0x6;
	v14 =	vor.u32 s17, v12;
	v16 =	vor.u32 v8, v16;
	v22 =	vshll.u32 v19, $0x3;
	[sflag:s22] =	ssyncset.done $0x0  }
0xb9: {  	v20 =	vmov s15;
	v19 =	vand.u32 $0x7D, v19;
	v22 =	vand.u32 $0x400, v22;
	[sflag:s22] =	ssyncadd.s32 $0xFFFFF000  }
0xba: {  	s17 =	simm.s32 $0x4;
	v23 =	vand.u32 $0x7E, v20;
	v20 =	vshll.u32 v20, $0x3;
	v19 =	vor.u32 v22, v19;
	v25 =	vld.idx.msk [tilespmem:v17+s23+$0x0], $0xffff  }
0xbb: {  	v19 =	vor.u32 v8, v19;
	v17 =	vand.u32 $0x400, v20;
	v26 =	vld.idx.msk [tilespmem:v15+s23+$0x0], $0xffff;
	v15 =	vmov s17  }
0xbc: {  	v20 =	vand.u32 $0x7F, v21;
	v21 =	vand.u32 $0x400, v24;
	v22 =	vshll.u32 v15, $0x3  }
0xbd: {  	v17 =	vor.u32 v17, v23;
	v23 =	vld.idx.msk [tilespmem:v16+s23+$0x0], $0xffff;
	v15 =	vand.u32 $0x7C, v15;
	v22 =	vand.u32 $0x400, v22  }
0xbe: {  	v20 =	vor.u32 v21, v20;
	v17 =	vor.u32 v8, v17;
	v15 =	vor.u32 v22, v15  }
0xbf: {  	v20 =	vor.u32 v8, v20;
	v22 =	vor.u32 s30, v12;
	v21 =	vor.u32 v8, v15  }
0xc0: {  	s26 =	simm.s32 $0x8;
	v16 =	vld.idx.msk [tilespmem:v18+s23+$0x0], $0xffff;
	v18 =	vmul.f32 v25, v11;
	v15 =	vor.u32 s3, v12;
	v24 =	vmul.f32 v26, v11  }
.LBB2_12:
0xc1: {  	s3 =	sadd.s32 $0x1, s26;
	v25 =	vor.u32 s15, v12;
	s15 =	sadd.s32 $0x2, s26  }
0xc2: {  	v23 =	vmul.f32 v23, v11;
	v26 =	vor.u32 s2, v12;
	s2 =	smov.u32 s0;
	s0 =	sadd.s32 $0x3, s26;
	s5 =	smov.u32 s26  }
0xc3: {  	p0 =	slt.u32 s26, $0xFC;
	s26 =	sadd.s32 $0x4, s26;
	v27 =	vmov s3;
	v28 =	vmov s15;
	v29 =	vmov s0;
	[tilespmem:v14+s25+$0x0] =	vst.idx.add.f32.msk vm1, v24;
	v14 =	vmovc v25  }
0xc4: {  	v24 =	vshll.u32 v27, $0x3;
	v25 =	vand.u32 $0x7E, v28;
	v28 =	vshll.u32 v28, $0x3;
	[tilespmem:v22+s25+$0x0] =	vst.idx.add.f32.msk vm1, v23  }
0xc5: {  	v22 =	vand.u32 $0x7D, v27;
	v23 =	vand.u32 $0x400, v24;
	v24 =	vshll.u32 v29, $0x3;
	v27 =	vld.idx.msk [tilespmem:v20+s23+$0x0], $0xffff  }
0xc6: {  	v20 =	vand.u32 $0x400, v28;
	v30 =	vor.u32 v23, v22;
	v22 =	vand.u32 $0x7F, v29;
	v28 =	vld.idx.msk [tilespmem:v17+s23+$0x0], $0xffff  }
0xc7: {  	v29 =	vmov s5;
	v17 =	vor.u32 v20, v25;
	v20 =	vand.u32 $0x400, v24;
	v23 =	vld.idx.msk [tilespmem:v21+s23+$0x0], $0xffff  }
.Ltmp7:
0xc8: {  	v24 =	vmul.f32 v16, v11;
	v21 =	vshll.u32 v29, $0x3;
	v17 =	vor.u32 v8, v17;
	v16 =	vld.idx.msk [tilespmem:v19+s23+$0x0], $0xffff;
	(pc) =	sbr.rel @p0 .LBB2_12-.Ltmp7, $4  }
0xc9: {  	v20 =	vor.u32 v20, v22;
	v19 =	vand.u32 $0x7C, v29;
	v21 =	vand.u32 $0x400, v21;
	[tilespmem:v26+s25+$0x0] =	vst.idx.add.f32.msk vm1, v18  }
0xca: {  	v22 =	vor.u32 s17, v12;
	s17 =	smov.u32 s5;
	v20 =	vor.u32 v8, v20;
	v18 =	vor.u32 v21, v19;
	[tilespmem:v13+s25+$0x0] =	vst.idx.add.f32.msk vm1, v24  }
0xcb: {  	v19 =	vor.u32 v8, v30;
	v21 =	vor.u32 v8, v18;
	v18 =	vmul.f32 v27, v11;
	v13 =	vmovc v15  }
0xcc: {  	v15 =	vor.u32 s3, v12;
	v24 =	vmul.f32 v28, v11  }
0xcd: {  	_ =	sdelay $0x3  }
0xce: {  	v17 =	vld.idx.msk [tilespmem:v17+s23+$0x0], $0xffff  }
0xcf: {  	v21 =	vld.idx.msk [tilespmem:v21+s23+$0x0], $0xffff  }
0xd0: {  	v58 =	vor.u32 s2, v12;
	v20 =	vld.idx.msk [tilespmem:v20+s23+$0x0], $0xffff  }
0xd1: {  	v59 =	vor.u32 s15, v12;
	v23 =	vmul.f32 v23, v11;
	v19 =	vld.idx.msk [tilespmem:v19+s23+$0x0], $0xffff  }
0xd2: {  	v25 =	vor.u32 s17, v12;
	v16 =	vmul.f32 v16, v11;
	[tilespmem:v14+s25+$0x0] =	vst.idx.add.f32.msk vm1, v24  }
0xd3: {  	v60 =	vor.u32 s0, v12;
	s31 =	sadd.s32 $0x1, s31;
	[tilespmem:v22+s25+$0x0] =	vst.idx.add.f32.msk vm1, v23  }
0xd4: {  	p0 =	sne.s32 s31, s29;
	[tilespmem:v13+s25+$0x0] =	vst.idx.add.f32.msk vm1, v16;
	v61 =	vmul.f32 v17, v11  }
.Ltmp8:
0xd5: {  	[tilespmem:v58+s25+$0x0] =	vst.idx.add.f32.msk vm1, v18;
	v62 =	vmul.f32 v21, v11;
	(pc) =	sbr.rel @p0 .LBB2_11-.Ltmp8, $4  }
.Ltmp9:
0xd6: {  	v63 =	vmul.f32 v20, v11;
	[tilespmem:v59+s25+$0x0] =	vst.idx.add.f32.msk vm1, v61;
	(pc) =	sbr.rel @!p0 .LBB2_14-.Ltmp9, $4  }
0xd7: {  	v11 =	vmul.f32 v19, v11;
	[tilespmem:v25+s25+$0x0] =	vst.idx.add.f32.msk vm1, v62  }
0xd8: {  	[tilespmem:v60+s25+$0x0] =	vst.idx.add.f32.msk vm1, v63  }
0xd9: {  	[tilespmem:v15+s25+$0x0] =	vst.idx.add.f32.msk vm1, v11  }
0xda: {  	_ = 	snop  }
.LBB2_15:
0xdb: {  	_ =	sfence.sel $0x180000  }
0xdc: {  	[bflag:$0x0] =	sbarrier.arrive $0xFFFF  }
0xdd: {  	_ =	strace $0x90000047  }
0xde: {  	s0 =	stileid.u32;
	[bflag:$0x2] =	sbarrier.arrive $0xFFFF  }
0xdf: {  	p0 =	sne.s32 s0, $0x0;
	s0 =	rddreg [dreg:$0x6]  }
0xe0: {  	s0 =	sadd.s32 @!p0 $0x100000, s0  }
0xe1: {  	[sflag:s0] =	ssyncadd.tile.s32 @!p0 $0x1;
	_ =	shalt  }
.Lfunc_end2:
_tile_overlayer_lowered:
.L_overlay_start_2:
0xe2: {  	(tag) =	ssettag $0x2  }
0xe3: {  	s0 =	rddreg [dreg:$0x0];
	s2 =	stileid.u32  }
0xe4: {  	s1 =	rddreg [dreg:$0x1];
	p0 =	sne.s32 s2, $0x0  }
0xe5: {  	s3 =	rddreg [dreg:$0x2];
	[bflag:$0x3] =	sbarrier.arrive $0xFFFF;
	s2 =	simm.s32 @!p0 $0x1C02  }
0xe6: {  	[timem:s3], [sflag:s2] =	dma.local @!p0 [hbm:s0], s1  }
0xe7: {  	s0 =	simm.s32 @!p0 $0x2  }
0xe8: {  	_ =	swait.ge @!p0 [sflag:s0], s1  }
0xe9: {  	s1 =	ssub.s32 @!p0 $0x0, s1;
	[sflag:s0] =	ssyncset.done @!p0 $0x0  }
0xea: {  	[sflag:s0] =	ssyncadd.s32 @!p0 s1  }
0xeb: {  	[bflag:$0x3] =	sbarrier.arrive $0xFFFF  }
0xec: {  	_ =	shalt  }

</sc_bundles>
